<compile_context>
chip_gen: v7x
topology: tpu7x:2x2x1
jax: 0.10.2.dev20260603
libtpu: 0.0.44.dev20260713+nightly
codegen_flags: <defaults>
</compile_context>

<pallas_src>
import functools

import jax
import jax.numpy as jnp
from jax import lax
from jax.experimental import pallas as pl
from jax.experimental.pallas import tpu as pltpu
from jax.experimental.pallas import tpu_sc as plsc

_COMMIT = 0.25
_LANES = 128
_ROWS_PER_BLOCK = 2048
_SC_CHUNK = 128


def _vq_tc_body(nblocks, kdim, x_ref, w_ref, idx_ref, loss_ref, wt_ref):
    f = pl.program_id(0)
    nb = pl.program_id(1)
    x = x_ref[0]
    w = w_ref[0]
    dots2 = jnp.dot(x * -2.0, w, preferred_element_type=jnp.float32)
    wsq = jnp.sum(w * w, axis=0, keepdims=True)
    xsq = jnp.sum(x * x, axis=1, keepdims=True)
    ngrp = kdim // _LANES
    liota = lax.broadcasted_iota(jnp.int32, (1, _LANES), 1)
    minval = (xsq + dots2[:, 0:_LANES]) + wsq[:, 0:_LANES]
    kwin = jnp.broadcast_to(liota, minval.shape)
    for j in range(1, ngrp):
        sl = slice(j * _LANES, (j + 1) * _LANES)
        dj = (xsq + dots2[:, sl]) + wsq[:, sl]
        better = dj < minval
        minval = jnp.where(better, dj, minval)
        kwin = jnp.where(better, liota + jnp.int32(j * _LANES), kwin)
    mind = jnp.min(minval, axis=1)
    masked = jnp.where(minval == mind[:, None], kwin, jnp.int32(kdim))
    idx = jnp.min(masked, axis=1)
    idx_ref[0, 0] = idx + f * kdim

    @pl.when(nb == 0)
    def _():
        wt_ref[0] = jnp.swapaxes(w, 0, 1)

    @pl.when(jnp.logical_and(f == 0, nb == 0))
    def _():
        loss_ref[0, 0] = 0.0

    loss_ref[0, 0] += jnp.sum(mind)


def _vq_assign(inputs, W):
    F, N, D = inputs.shape
    K = W.shape[2]
    Nb = _ROWS_PER_BLOCK
    NB = N // Nb
    idx_out, loss_out, wt = pl.pallas_call(
        functools.partial(_vq_tc_body, NB, K),
        grid=(F, NB),
        in_specs=[
            pl.BlockSpec((1, Nb, D), lambda f, nb: (f, nb, 0)),
            pl.BlockSpec((1, D, K), lambda f, nb: (f, 0, 0)),
        ],
        out_specs=[
            pl.BlockSpec((1, 1, Nb), lambda f, nb: (f * NB + nb, 0, 0)),
            pl.BlockSpec((1, 1), lambda f, nb: (0, 0),
                         memory_space=pltpu.SMEM),
            pl.BlockSpec((1, K, D), lambda f, nb: (f, 0, 0)),
        ],
        out_shape=[
            jax.ShapeDtypeStruct((F * NB, 1, Nb), jnp.int32),
            jax.ShapeDtypeStruct((1, 1), jnp.float32),
            jax.ShapeDtypeStruct((F, K, D), jnp.float32),
        ],
    )(inputs, W)
    return idx_out.reshape(F * N), loss_out[0, 0], wt


def _sc_gather(table, idx):
    B = idx.shape[0]
    Dd = table.shape[1]
    info = plsc.get_sparse_core_info()
    nc, ns = info.num_cores, info.num_subcores
    nw = nc * ns
    b_per_w = B // nw
    cb = min(_SC_CHUNK, b_per_w)
    n_chunks = b_per_w // cb
    mesh = plsc.VectorSubcoreMesh(core_axis_name="c", subcore_axis_name="s")

    @functools.partial(
        pl.kernel,
        mesh=mesh,
        out_type=jax.ShapeDtypeStruct((B, Dd), jnp.float32),
        scratch_types=[
            pltpu.VMEM((b_per_w,), jnp.int32),
            pltpu.VMEM((cb, Dd), jnp.float32),
            pltpu.VMEM((cb, Dd), jnp.float32),
            pltpu.SemaphoreType.DMA,
            pltpu.SemaphoreType.DMA,
            pltpu.SemaphoreType.DMA,
            pltpu.SemaphoreType.DMA,
        ],
    )
    def gather_k(table_hbm, idx_hbm, out_hbm, idx_v, buf0, buf1,
                 g0, g1, s0, s1):
        wid = lax.axis_index("s") * nc + lax.axis_index("c")
        base = wid * b_per_w
        pltpu.sync_copy(idx_hbm.at[pl.ds(base, b_per_w)], idx_v)
        bufs = (buf0, buf1)
        gsems = (g0, g1)
        ssems = (s0, s1)
        gd = [None] * n_chunks
        sd = [None] * n_chunks
        gd[0] = pltpu.async_copy(
            table_hbm.at[idx_v.at[pl.ds(0, cb)]], bufs[0], gsems[0])
        for i in range(n_chunks):
            if i + 1 < n_chunks:
                if i + 1 >= 2:
                    sd[i - 1].wait()
                gd[i + 1] = pltpu.async_copy(
                    table_hbm.at[idx_v.at[pl.ds((i + 1) * cb, cb)]],
                    bufs[(i + 1) % 2], gsems[(i + 1) % 2])
            gd[i].wait()
            sd[i] = pltpu.async_copy(
                bufs[i % 2], out_hbm.at[pl.ds(base + i * cb, cb)],
                ssems[i % 2])
        if n_chunks >= 2:
            sd[n_chunks - 2].wait()
        sd[n_chunks - 1].wait()

    return gather_k(table, idx)


def kernel(inputs, W):
    F, N, D = inputs.shape
    K = W.shape[2]
    idx_flat, loss_sum, wt = _vq_assign(inputs, W)
    quantized = _sc_gather(wt.reshape(F * K, D), idx_flat).reshape(F, N, D)
    loss = loss_sum * ((1.0 + _COMMIT) / (F * N * D))
    return quantized, loss

# --- scband reference (transcript-rebuilt; emitter-appended) ---
"""Pipeline reference for scband-vector-quantizer-9783935500409 (READ-ONLY COPY).

The authoritative reference and input builder live on the scoring server;
editing this copy changes nothing except your own understanding.
"""

import jax, jax.numpy as jnp
import numpy as np

F, N, D, K = 4, 4096, 256, 1024
COMMITMENT_COST = 0.25


def setup_inputs(seed: int = 0) -> dict:
    key = jax.random.key(seed)
    k1, k2 = jax.random.split(key)
    inputs = jax.random.normal(k1, (F, N, D), dtype=jnp.float32)
    # he_uniform init for embeddings of shape [F, D, K]
    limit = np.sqrt(6.0 / D)
    W = jax.random.uniform(k2, (F, D, K), dtype=jnp.float32, minval=-limit, maxval=limit)
    return {"inputs": inputs, "W": W}


def reference(inputs, W):
    # distances: [F, N, K]
    distances = (
        jnp.sum(inputs ** 2, axis=2, keepdims=True)
        - 2.0 * jnp.matmul(inputs, W)
        + jnp.sum(W ** 2, axis=1, keepdims=True)
    )
    enc_idx = jnp.argmin(distances, axis=2)  # [F, N]
    wt = jnp.transpose(W, (0, 2, 1))  # [F, K, D]
    # batched gather: for each feature f, row n -> wt[f, enc_idx[f, n], :]
    quantized = jnp.take_along_axis(wt, enc_idx[:, :, None], axis=1)  # [F, N, D]
    e_latent_loss = jnp.mean((jax.lax.stop_gradient(quantized) - inputs) ** 2)
    q_latent_loss = jnp.mean((quantized - jax.lax.stop_gradient(inputs)) ** 2)
    loss = q_latent_loss + COMMITMENT_COST * e_latent_loss
    quantized_st = inputs + jax.lax.stop_gradient(quantized - inputs)
    return (quantized_st, loss)

if __name__ == "__main__":
    import jax
    _d = setup_inputs()
    print(jax.jit(kernel)(*tuple(_d.values())))

</pallas_src>

<mosaic_0001>
#map = affine_map<(d0, d1) -> (0, 0)>
#map1 = affine_map<(d0, d1) -> (0)>
module attributes {stable_mosaic.version = 14 : i64} {
  func.func @gather_k(%arg0: i32, %arg1: i32, %arg2: memref<4096x256xf32, #tpu.memory_space<hbm>>, %arg3: memref<16384xi32, #tpu.memory_space<hbm>>, %arg4: memref<16384x256xf32, #tpu.memory_space<hbm>>, %arg5: memref<512xi32, #tpu.memory_space<vmem>>, %arg6: memref<128x256xf32, #tpu.memory_space<vmem>>, %arg7: memref<128x256xf32, #tpu.memory_space<vmem>>, %arg8: memref<!tpu.dma_semaphore, #tpu.memory_space<semaphore_mem>>, %arg9: memref<!tpu.dma_semaphore, #tpu.memory_space<semaphore_mem>>, %arg10: memref<!tpu.dma_semaphore, #tpu.memory_space<semaphore_mem>>, %arg11: memref<!tpu.dma_semaphore, #tpu.memory_space<semaphore_mem>>) attributes {dimension_semantics = [#tpu.dimension_semantics<core_parallel>, #tpu.dimension_semantics<subcore_parallel>], iteration_bounds = array<i64: 2, 16>, scalar_prefetch = 0 : i64, scratch_operands = 7 : i64, tpu.core_type = #tpu.core_type<sc_vector_subcore>, window_params = [{transform_indices = #map}, {transform_indices = #map1}, {transform_indices = #map}]} {
    %mul3A = arith.constant 2 : i32
    %mul3A_0 = arith.muli %arg1, %mul3A : i32
    %add3A = arith.addi %mul3A_0, %arg0 : i32
    %mul3A_1 = arith.constant 512 : i32
    %mul3A_2 = arith.muli %add3A, %mul3A_1 : i32
    "tpu.region"() ({
      %run_scoped3A = tpu.sem_alloc : memref<!tpu.dma_semaphore, #tpu.memory_space<semaphore_mem>>
      %dma_start3A_81 = tpu.memref_slice %arg3[%mul3A_2] : memref<16384xi32, #tpu.memory_space<hbm>> -> memref<512xi32, #tpu.memory_space<hbm>>
      %dma_start3A_82 = tpu.memref_slice %arg3[%mul3A_2] : memref<16384xi32, #tpu.memory_space<hbm>> -> memref<512xi32, #tpu.memory_space<hbm>>
      tpu.enqueue_dma source(%dma_start3A_82 : memref<512xi32, #tpu.memory_space<hbm>>) target(%arg5 : memref<512xi32, #tpu.memory_space<vmem>>) target_semaphore(%run_scoped3A : memref<!tpu.dma_semaphore, #tpu.memory_space<semaphore_mem>>)
      %dma_wait3A_83 = tpu.memref_slice %arg3[%mul3A_2] : memref<16384xi32, #tpu.memory_space<hbm>> -> memref<512xi32, #tpu.memory_space<hbm>>
      %dma_wait3A_84 = tpu.memref_slice %arg3[%mul3A_2] : memref<16384xi32, #tpu.memory_space<hbm>> -> memref<512xi32, #tpu.memory_space<hbm>>
      tpu.wait_dma2 semaphore(%run_scoped3A : memref<!tpu.dma_semaphore, #tpu.memory_space<semaphore_mem>>) src(%dma_wait3A_84 : memref<512xi32, #tpu.memory_space<hbm>>) dst(%arg5 : memref<512xi32, #tpu.memory_space<vmem>>)
      tpu.yield
    }) : () -> ()
    %dma_start3A = arith.constant 0 : i32
    %dma_start3A_3 = tpu.memref_slice %arg5[%dma_start3A] : memref<512xi32, #tpu.memory_space<vmem>> -> memref<128xi32, #tpu.memory_space<vmem>>
    %dma_start3A_4 = arith.constant 0 : i32
    %dma_start3A_5 = arith.constant 0 : i32
    %dma_start3A_6 = tpu.memref_slice %arg2[%dma_start3A_4, %dma_start3A_5] : memref<4096x256xf32, #tpu.memory_space<hbm>> -> memref<4096x256xf32, #tpu.memory_space<hbm>>
    tpu.enqueue_indirect_dma source(%dma_start3A_6 : memref<4096x256xf32, #tpu.memory_space<hbm>>) target(%arg6 : memref<128x256xf32, #tpu.memory_space<vmem>>) offsets(%dma_start3A_3 : memref<128xi32, #tpu.memory_space<vmem>>) semaphore(%arg8 : memref<!tpu.dma_semaphore, #tpu.memory_space<semaphore_mem>>)
    %dma_start3A_7 = arith.constant 128 : i32
    %dma_start3A_8 = tpu.memref_slice %arg5[%dma_start3A_7] : memref<512xi32, #tpu.memory_space<vmem>> -> memref<128xi32, #tpu.memory_space<vmem>>
    %dma_start3A_9 = arith.constant 0 : i32
    %dma_start3A_10 = arith.constant 0 : i32
    %dma_start3A_11 = tpu.memref_slice %arg2[%dma_start3A_9, %dma_start3A_10] : memref<4096x256xf32, #tpu.memory_space<hbm>> -> memref<4096x256xf32, #tpu.memory_space<hbm>>
    tpu.enqueue_indirect_dma source(%dma_start3A_11 : memref<4096x256xf32, #tpu.memory_space<hbm>>) target(%arg7 : memref<128x256xf32, #tpu.memory_space<vmem>>) offsets(%dma_start3A_8 : memref<128xi32, #tpu.memory_space<vmem>>) semaphore(%arg9 : memref<!tpu.dma_semaphore, #tpu.memory_space<semaphore_mem>>)
    %dma_wait3A = arith.constant 0 : i32
    %dma_wait3A_12 = tpu.memref_slice %arg5[%dma_wait3A] : memref<512xi32, #tpu.memory_space<vmem>> -> memref<128xi32, #tpu.memory_space<vmem>>
    %dma_wait3A_13 = arith.constant 0 : i32
    %dma_wait3A_14 = arith.constant 0 : i32
    %dma_wait3A_15 = tpu.memref_slice %arg2[%dma_wait3A_13, %dma_wait3A_14] : memref<4096x256xf32, #tpu.memory_space<hbm>> -> memref<4096x256xf32, #tpu.memory_space<hbm>>
    tpu.wait_indirect_dma semaphore(%arg8 : memref<!tpu.dma_semaphore, #tpu.memory_space<semaphore_mem>>) src(%dma_wait3A_15 : memref<4096x256xf32, #tpu.memory_space<hbm>>) dst(%arg6 : memref<128x256xf32, #tpu.memory_space<vmem>>)
    %add3A_16 = arith.constant 0 : i32
    %add3A_17 = arith.addi %mul3A_2, %add3A_16 : i32
    %dma_start3A_18 = arith.constant 0 : i32
    %dma_start3A_19 = tpu.memref_slice %arg4[%add3A_17, %dma_start3A_18] : memref<16384x256xf32, #tpu.memory_space<hbm>> -> memref<128x256xf32, #tpu.memory_space<hbm>>
    %dma_start3A_20 = arith.constant 0 : i32
    %dma_start3A_21 = tpu.memref_slice %arg4[%add3A_17, %dma_start3A_20] : memref<16384x256xf32, #tpu.memory_space<hbm>> -> memref<128x256xf32, #tpu.memory_space<hbm>>
    tpu.enqueue_dma source(%arg6 : memref<128x256xf32, #tpu.memory_space<vmem>>) target(%dma_start3A_21 : memref<128x256xf32, #tpu.memory_space<hbm>>) target_semaphore(%arg10 : memref<!tpu.dma_semaphore, #tpu.memory_space<semaphore_mem>>)
    %dma_wait3A_22 = arith.constant 0 : i32
    %dma_wait3A_23 = tpu.memref_slice %arg4[%add3A_17, %dma_wait3A_22] : memref<16384x256xf32, #tpu.memory_space<hbm>> -> memref<128x256xf32, #tpu.memory_space<hbm>>
    %dma_wait3A_24 = arith.constant 0 : i32
    %dma_wait3A_25 = tpu.memref_slice %arg4[%add3A_17, %dma_wait3A_24] : memref<16384x256xf32, #tpu.memory_space<hbm>> -> memref<128x256xf32, #tpu.memory_space<hbm>>
    tpu.wait_dma2 semaphore(%arg10 : memref<!tpu.dma_semaphore, #tpu.memory_space<semaphore_mem>>) src(%arg6 : memref<128x256xf32, #tpu.memory_space<vmem>>) dst(%dma_wait3A_25 : memref<128x256xf32, #tpu.memory_space<hbm>>)
    %dma_start3A_26 = arith.constant 256 : i32
    %dma_start3A_27 = tpu.memref_slice %arg5[%dma_start3A_26] : memref<512xi32, #tpu.memory_space<vmem>> -> memref<128xi32, #tpu.memory_space<vmem>>
    %dma_start3A_28 = arith.constant 0 : i32
    %dma_start3A_29 = arith.constant 0 : i32
    %dma_start3A_30 = tpu.memref_slice %arg2[%dma_start3A_28, %dma_start3A_29] : memref<4096x256xf32, #tpu.memory_space<hbm>> -> memref<4096x256xf32, #tpu.memory_space<hbm>>
    tpu.enqueue_indirect_dma source(%dma_start3A_30 : memref<4096x256xf32, #tpu.memory_space<hbm>>) target(%arg6 : memref<128x256xf32, #tpu.memory_space<vmem>>) offsets(%dma_start3A_27 : memref<128xi32, #tpu.memory_space<vmem>>) semaphore(%arg8 : memref<!tpu.dma_semaphore, #tpu.memory_space<semaphore_mem>>)
    %dma_wait3A_31 = arith.constant 128 : i32
    %dma_wait3A_32 = tpu.memref_slice %arg5[%dma_wait3A_31] : memref<512xi32, #tpu.memory_space<vmem>> -> memref<128xi32, #tpu.memory_space<vmem>>
    %dma_wait3A_33 = arith.constant 0 : i32
    %dma_wait3A_34 = arith.constant 0 : i32
    %dma_wait3A_35 = tpu.memref_slice %arg2[%dma_wait3A_33, %dma_wait3A_34] : memref<4096x256xf32, #tpu.memory_space<hbm>> -> memref<4096x256xf32, #tpu.memory_space<hbm>>
    tpu.wait_indirect_dma semaphore(%arg9 : memref<!tpu.dma_semaphore, #tpu.memory_space<semaphore_mem>>) src(%dma_wait3A_35 : memref<4096x256xf32, #tpu.memory_space<hbm>>) dst(%arg7 : memref<128x256xf32, #tpu.memory_space<vmem>>)
    %add3A_36 = arith.constant 128 : i32
    %add3A_37 = arith.addi %mul3A_2, %add3A_36 : i32
    %dma_start3A_38 = arith.constant 0 : i32
    %dma_start3A_39 = tpu.memref_slice %arg4[%add3A_37, %dma_start3A_38] : memref<16384x256xf32, #tpu.memory_space<hbm>> -> memref<128x256xf32, #tpu.memory_space<hbm>>
    %dma_start3A_40 = arith.constant 0 : i32
    %dma_start3A_41 = tpu.memref_slice %arg4[%add3A_37, %dma_start3A_40] : memref<16384x256xf32, #tpu.memory_space<hbm>> -> memref<128x256xf32, #tpu.memory_space<hbm>>
    tpu.enqueue_dma source(%arg7 : memref<128x256xf32, #tpu.memory_space<vmem>>) target(%dma_start3A_41 : memref<128x256xf32, #tpu.memory_space<hbm>>) target_semaphore(%arg11 : memref<!tpu.dma_semaphore, #tpu.memory_space<semaphore_mem>>)
    %dma_wait3A_42 = arith.constant 0 : i32
    %dma_wait3A_43 = tpu.memref_slice %arg4[%add3A_37, %dma_wait3A_42] : memref<16384x256xf32, #tpu.memory_space<hbm>> -> memref<128x256xf32, #tpu.memory_space<hbm>>
    %dma_wait3A_44 = arith.constant 0 : i32
    %dma_wait3A_45 = tpu.memref_slice %arg4[%add3A_37, %dma_wait3A_44] : memref<16384x256xf32, #tpu.memory_space<hbm>> -> memref<128x256xf32, #tpu.memory_space<hbm>>
    tpu.wait_dma2 semaphore(%arg11 : memref<!tpu.dma_semaphore, #tpu.memory_space<semaphore_mem>>) src(%arg7 : memref<128x256xf32, #tpu.memory_space<vmem>>) dst(%dma_wait3A_45 : memref<128x256xf32, #tpu.memory_space<hbm>>)
    %dma_start3A_46 = arith.constant 384 : i32
    %dma_start3A_47 = tpu.memref_slice %arg5[%dma_start3A_46] : memref<512xi32, #tpu.memory_space<vmem>> -> memref<128xi32, #tpu.memory_space<vmem>>
    %dma_start3A_48 = arith.constant 0 : i32
    %dma_start3A_49 = arith.constant 0 : i32
    %dma_start3A_50 = tpu.memref_slice %arg2[%dma_start3A_48, %dma_start3A_49] : memref<4096x256xf32, #tpu.memory_space<hbm>> -> memref<4096x256xf32, #tpu.memory_space<hbm>>
    tpu.enqueue_indirect_dma source(%dma_start3A_50 : memref<4096x256xf32, #tpu.memory_space<hbm>>) target(%arg7 : memref<128x256xf32, #tpu.memory_space<vmem>>) offsets(%dma_start3A_47 : memref<128xi32, #tpu.memory_space<vmem>>) semaphore(%arg9 : memref<!tpu.dma_semaphore, #tpu.memory_space<semaphore_mem>>)
    %dma_wait3A_51 = arith.constant 256 : i32
    %dma_wait3A_52 = tpu.memref_slice %arg5[%dma_wait3A_51] : memref<512xi32, #tpu.memory_space<vmem>> -> memref<128xi32, #tpu.memory_space<vmem>>
    %dma_wait3A_53 = arith.constant 0 : i32
    %dma_wait3A_54 = arith.constant 0 : i32
    %dma_wait3A_55 = tpu.memref_slice %arg2[%dma_wait3A_53, %dma_wait3A_54] : memref<4096x256xf32, #tpu.memory_space<hbm>> -> memref<4096x256xf32, #tpu.memory_space<hbm>>
    tpu.wait_indirect_dma semaphore(%arg8 : memref<!tpu.dma_semaphore, #tpu.memory_space<semaphore_mem>>) src(%dma_wait3A_55 : memref<4096x256xf32, #tpu.memory_space<hbm>>) dst(%arg6 : memref<128x256xf32, #tpu.memory_space<vmem>>)
    %add3A_56 = arith.constant 256 : i32
    %add3A_57 = arith.addi %mul3A_2, %add3A_56 : i32
    %dma_start3A_58 = arith.constant 0 : i32
    %dma_start3A_59 = tpu.memref_slice %arg4[%add3A_57, %dma_start3A_58] : memref<16384x256xf32, #tpu.memory_space<hbm>> -> memref<128x256xf32, #tpu.memory_space<hbm>>
    %dma_start3A_60 = arith.constant 0 : i32
    %dma_start3A_61 = tpu.memref_slice %arg4[%add3A_57, %dma_start3A_60] : memref<16384x256xf32, #tpu.memory_space<hbm>> -> memref<128x256xf32, #tpu.memory_space<hbm>>
    tpu.enqueue_dma source(%arg6 : memref<128x256xf32, #tpu.memory_space<vmem>>) target(%dma_start3A_61 : memref<128x256xf32, #tpu.memory_space<hbm>>) target_semaphore(%arg10 : memref<!tpu.dma_semaphore, #tpu.memory_space<semaphore_mem>>)
    %dma_wait3A_62 = arith.constant 384 : i32
    %dma_wait3A_63 = tpu.memref_slice %arg5[%dma_wait3A_62] : memref<512xi32, #tpu.memory_space<vmem>> -> memref<128xi32, #tpu.memory_space<vmem>>
    %dma_wait3A_64 = arith.constant 0 : i32
    %dma_wait3A_65 = arith.constant 0 : i32
    %dma_wait3A_66 = tpu.memref_slice %arg2[%dma_wait3A_64, %dma_wait3A_65] : memref<4096x256xf32, #tpu.memory_space<hbm>> -> memref<4096x256xf32, #tpu.memory_space<hbm>>
    tpu.wait_indirect_dma semaphore(%arg9 : memref<!tpu.dma_semaphore, #tpu.memory_space<semaphore_mem>>) src(%dma_wait3A_66 : memref<4096x256xf32, #tpu.memory_space<hbm>>) dst(%arg7 : memref<128x256xf32, #tpu.memory_space<vmem>>)
    %add3A_67 = arith.constant 384 : i32
    %add3A_68 = arith.addi %mul3A_2, %add3A_67 : i32
    %dma_start3A_69 = arith.constant 0 : i32
    %dma_start3A_70 = tpu.memref_slice %arg4[%add3A_68, %dma_start3A_69] : memref<16384x256xf32, #tpu.memory_space<hbm>> -> memref<128x256xf32, #tpu.memory_space<hbm>>
    %dma_start3A_71 = arith.constant 0 : i32
    %dma_start3A_72 = tpu.memref_slice %arg4[%add3A_68, %dma_start3A_71] : memref<16384x256xf32, #tpu.memory_space<hbm>> -> memref<128x256xf32, #tpu.memory_space<hbm>>
    tpu.enqueue_dma source(%arg7 : memref<128x256xf32, #tpu.memory_space<vmem>>) target(%dma_start3A_72 : memref<128x256xf32, #tpu.memory_space<hbm>>) target_semaphore(%arg11 : memref<!tpu.dma_semaphore, #tpu.memory_space<semaphore_mem>>)
    %dma_wait3A_73 = arith.constant 0 : i32
    %dma_wait3A_74 = tpu.memref_slice %arg4[%add3A_57, %dma_wait3A_73] : memref<16384x256xf32, #tpu.memory_space<hbm>> -> memref<128x256xf32, #tpu.memory_space<hbm>>
    %dma_wait3A_75 = arith.constant 0 : i32
    %dma_wait3A_76 = tpu.memref_slice %arg4[%add3A_57, %dma_wait3A_75] : memref<16384x256xf32, #tpu.memory_space<hbm>> -> memref<128x256xf32, #tpu.memory_space<hbm>>
    tpu.wait_dma2 semaphore(%arg10 : memref<!tpu.dma_semaphore, #tpu.memory_space<semaphore_mem>>) src(%arg6 : memref<128x256xf32, #tpu.memory_space<vmem>>) dst(%dma_wait3A_76 : memref<128x256xf32, #tpu.memory_space<hbm>>)
    %dma_wait3A_77 = arith.constant 0 : i32
    %dma_wait3A_78 = tpu.memref_slice %arg4[%add3A_68, %dma_wait3A_77] : memref<16384x256xf32, #tpu.memory_space<hbm>> -> memref<128x256xf32, #tpu.memory_space<hbm>>
    %dma_wait3A_79 = arith.constant 0 : i32
    %dma_wait3A_80 = tpu.memref_slice %arg4[%add3A_68, %dma_wait3A_79] : memref<16384x256xf32, #tpu.memory_space<hbm>> -> memref<128x256xf32, #tpu.memory_space<hbm>>
    tpu.wait_dma2 semaphore(%arg11 : memref<!tpu.dma_semaphore, #tpu.memory_space<semaphore_mem>>) src(%arg7 : memref<128x256xf32, #tpu.memory_space<vmem>>) dst(%dma_wait3A_80 : memref<128x256xf32, #tpu.memory_space<hbm>>)
    return
  }
}

module attributes {stable_mosaic.version = 14 : i64} {
  func.func @_vq_tc_body(%arg0: i32, %arg1: i32, %arg2: memref<1x2048x256xf32, #tpu.memory_space<vmem>>, %arg3: memref<1x256x1024xf32, #tpu.memory_space<vmem>>, %arg4: memref<1x1x2048xi32, #tpu.memory_space<vmem>>, %arg5: memref<1x1xf32, #tpu.memory_space<smem>>, %arg6: memref<1x1024x256xf32, #tpu.memory_space<vmem>>) attributes {dimension_semantics = [#tpu.dimension_semantics<arbitrary>, #tpu.dimension_semantics<arbitrary>], iteration_bounds = array<i64: 4, 2>, scalar_prefetch = 0 : i64, scratch_operands = 0 : i64, tpu.core_type = #tpu.core_type<tc>, window_params = [{transform_indices = @transform_0, window_bounds = array<i64: 1, 2048, 256>}, {transform_indices = @transform_1, window_bounds = array<i64: 1, 256, 1024>}, {transform_indices = @transform_2, window_bounds = array<i64: 1, 1, 2048>}, {transform_indices = @transform_3, window_bounds = array<i64: 1, 1>}, {transform_indices = @transform_4, window_bounds = array<i64: 1, 1024, 256>}]} {
    %get3A = arith.constant 0 : index
    %get3A_0 = arith.constant 0 : index
    %get3A_1 = arith.constant 0 : index
    %get3A_2 = vector.load %arg2[%get3A, %get3A_0, %get3A_1] : memref<1x2048x256xf32, #tpu.memory_space<vmem>>, vector<1x2048x256xf32>
    %get3A_3 = vector.shape_cast %get3A_2 : vector<1x2048x256xf32> to vector<2048x256xf32>
    %get3A_4 = arith.constant 0 : index
    %get3A_5 = arith.constant 0 : index
    %get3A_6 = arith.constant 0 : index
    %get3A_7 = vector.load %arg3[%get3A_4, %get3A_5, %get3A_6] : memref<1x256x1024xf32, #tpu.memory_space<vmem>>, vector<1x256x1024xf32>
    %get3A_8 = vector.shape_cast %get3A_7 : vector<1x256x1024xf32> to vector<256x1024xf32>
    %mul3A = arith.constant -2.000000e+00 : f32
    %mul3A_9 = vector.broadcast %mul3A : f32 to vector<2048x256xf32>
    %mul3A_10 = arith.mulf %get3A_3, %mul3A_9 : vector<2048x256xf32>
    %dot_general3A = arith.constant dense<0.000000e+00> : vector<2048x1024xf32>
    %dot_general3A_11 = tpu.matmul %mul3A_10, %get3A_8, %dot_general3A {dimension_numbers = #tpu.dot_dimension_numbers<[1], [0], [0], [1], [0, 0, 1, 1], [], []>, transpose_lhs_hint = false} : vector<2048x256xf32>, vector<256x1024xf32>, vector<2048x1024xf32> -> vector<2048x1024xf32>
    %mul3A_12 = arith.mulf %get3A_8, %get3A_8 : vector<256x1024xf32>
    %reduce_sum3A = arith.constant dense<0.000000e+00> : vector<1024xf32>
    %reduce_sum3A_13 = vector.multi_reduction <add>, %mul3A_12, %reduce_sum3A [0] : vector<256x1024xf32> to vector<1024xf32>
    %broadcast_in_dim3A = vector.shape_cast %reduce_sum3A_13 : vector<1024xf32> to vector<1x1024xf32>
    %mul3A_14 = arith.mulf %get3A_3, %get3A_3 : vector<2048x256xf32>
    %reduce_sum3A_15 = arith.constant dense<0.000000e+00> : vector<2048xf32>
    %reduce_sum3A_16 = vector.multi_reduction <add>, %mul3A_14, %reduce_sum3A_15 [1] : vector<2048x256xf32> to vector<2048xf32>
    %broadcast_in_dim3A_17 = vector.shape_cast %reduce_sum3A_16 : vector<2048xf32> to vector<2048x1xf32>
    %iota3A = tpu.iota {dimensions = array<i32: 1>} : vector<1x128xi32>
    %slice3A = vector.extract_strided_slice %dot_general3A_11 {offsets = [0, 0], sizes = [2048, 128], strides = [1, 1]} : vector<2048x1024xf32> to vector<2048x128xf32>
    %add3A = vector.broadcast %broadcast_in_dim3A_17 : vector<2048x1xf32> to vector<2048x128xf32>
    %add3A_18 = arith.addf %add3A, %slice3A : vector<2048x128xf32>
    %slice3A_19 = vector.extract_strided_slice %broadcast_in_dim3A {offsets = [0, 0], sizes = [1, 128], strides = [1, 1]} : vector<1x1024xf32> to vector<1x128xf32>
    %add3A_20 = vector.broadcast %slice3A_19 : vector<1x128xf32> to vector<2048x128xf32>
    %add3A_21 = arith.addf %add3A_18, %add3A_20 : vector<2048x128xf32>
    %broadcast_in_dim3A_22 = vector.shape_cast %iota3A : vector<1x128xi32> to vector<1x128xi32>
    %broadcast_in_dim3A_23 = vector.broadcast %broadcast_in_dim3A_22 : vector<1x128xi32> to vector<2048x128xi32>
    %slice3A_24 = vector.extract_strided_slice %dot_general3A_11 {offsets = [0, 128], sizes = [2048, 128], strides = [1, 1]} : vector<2048x1024xf32> to vector<2048x128xf32>
    %add3A_25 = vector.broadcast %broadcast_in_dim3A_17 : vector<2048x1xf32> to vector<2048x128xf32>
    %add3A_26 = arith.addf %add3A_25, %slice3A_24 : vector<2048x128xf32>
    %slice3A_27 = vector.extract_strided_slice %broadcast_in_dim3A {offsets = [0, 128], sizes = [1, 128], strides = [1, 1]} : vector<1x1024xf32> to vector<1x128xf32>
    %add3A_28 = vector.broadcast %slice3A_27 : vector<1x128xf32> to vector<2048x128xf32>
    %add3A_29 = arith.addf %add3A_26, %add3A_28 : vector<2048x128xf32>
    %lt3A = arith.cmpf olt, %add3A_29, %add3A_21 : vector<2048x128xf32>
    %select_n3A = arith.select %lt3A, %add3A_29, %add3A_21 : vector<2048x128xi1>, vector<2048x128xf32>
    %add3A_30 = arith.constant 128 : i32
    %add3A_31 = vector.broadcast %add3A_30 : i32 to vector<1x128xi32>
    %add3A_32 = arith.addi %iota3A, %add3A_31 : vector<1x128xi32>
    %broadcast_in_dim3A_33 = vector.shape_cast %add3A_32 : vector<1x128xi32> to vector<1x128xi32>
    %broadcast_in_dim3A_34 = vector.broadcast %broadcast_in_dim3A_33 : vector<1x128xi32> to vector<2048x128xi32>
    %select_n3A_35 = arith.select %lt3A, %broadcast_in_dim3A_34, %broadcast_in_dim3A_23 : vector<2048x128xi1>, vector<2048x128xi32>
    %slice3A_36 = vector.extract_strided_slice %dot_general3A_11 {offsets = [0, 256], sizes = [2048, 128], strides = [1, 1]} : vector<2048x1024xf32> to vector<2048x128xf32>
    %add3A_37 = vector.broadcast %broadcast_in_dim3A_17 : vector<2048x1xf32> to vector<2048x128xf32>
    %add3A_38 = arith.addf %add3A_37, %slice3A_36 : vector<2048x128xf32>
    %slice3A_39 = vector.extract_strided_slice %broadcast_in_dim3A {offsets = [0, 256], sizes = [1, 128], strides = [1, 1]} : vector<1x1024xf32> to vector<1x128xf32>
    %add3A_40 = vector.broadcast %slice3A_39 : vector<1x128xf32> to vector<2048x128xf32>
    %add3A_41 = arith.addf %add3A_38, %add3A_40 : vector<2048x128xf32>
    %lt3A_42 = arith.cmpf olt, %add3A_41, %select_n3A : vector<2048x128xf32>
    %select_n3A_43 = arith.select %lt3A_42, %add3A_41, %select_n3A : vector<2048x128xi1>, vector<2048x128xf32>
    %add3A_44 = arith.constant 256 : i32
    %add3A_45 = vector.broadcast %add3A_44 : i32 to vector<1x128xi32>
    %add3A_46 = arith.addi %iota3A, %add3A_45 : vector<1x128xi32>
    %broadcast_in_dim3A_47 = vector.shape_cast %add3A_46 : vector<1x128xi32> to vector<1x128xi32>
    %broadcast_in_dim3A_48 = vector.broadcast %broadcast_in_dim3A_47 : vector<1x128xi32> to vector<2048x128xi32>
    %select_n3A_49 = arith.select %lt3A_42, %broadcast_in_dim3A_48, %select_n3A_35 : vector<2048x128xi1>, vector<2048x128xi32>
    %slice3A_50 = vector.extract_strided_slice %dot_general3A_11 {offsets = [0, 384], sizes = [2048, 128], strides = [1, 1]} : vector<2048x1024xf32> to vector<2048x128xf32>
    %add3A_51 = vector.broadcast %broadcast_in_dim3A_17 : vector<2048x1xf32> to vector<2048x128xf32>
    %add3A_52 = arith.addf %add3A_51, %slice3A_50 : vector<2048x128xf32>
    %slice3A_53 = vector.extract_strided_slice %broadcast_in_dim3A {offsets = [0, 384], sizes = [1, 128], strides = [1, 1]} : vector<1x1024xf32> to vector<1x128xf32>
    %add3A_54 = vector.broadcast %slice3A_53 : vector<1x128xf32> to vector<2048x128xf32>
    %add3A_55 = arith.addf %add3A_52, %add3A_54 : vector<2048x128xf32>
    %lt3A_56 = arith.cmpf olt, %add3A_55, %select_n3A_43 : vector<2048x128xf32>
    %select_n3A_57 = arith.select %lt3A_56, %add3A_55, %select_n3A_43 : vector<2048x128xi1>, vector<2048x128xf32>
    %add3A_58 = arith.constant 384 : i32
    %add3A_59 = vector.broadcast %add3A_58 : i32 to vector<1x128xi32>
    %add3A_60 = arith.addi %iota3A, %add3A_59 : vector<1x128xi32>
    %broadcast_in_dim3A_61 = vector.shape_cast %add3A_60 : vector<1x128xi32> to vector<1x128xi32>
    %broadcast_in_dim3A_62 = vector.broadcast %broadcast_in_dim3A_61 : vector<1x128xi32> to vector<2048x128xi32>
    %select_n3A_63 = arith.select %lt3A_56, %broadcast_in_dim3A_62, %select_n3A_49 : vector<2048x128xi1>, vector<2048x128xi32>
    %slice3A_64 = vector.extract_strided_slice %dot_general3A_11 {offsets = [0, 512], sizes = [2048, 128], strides = [1, 1]} : vector<2048x1024xf32> to vector<2048x128xf32>
    %add3A_65 = vector.broadcast %broadcast_in_dim3A_17 : vector<2048x1xf32> to vector<2048x128xf32>
    %add3A_66 = arith.addf %add3A_65, %slice3A_64 : vector<2048x128xf32>
    %slice3A_67 = vector.extract_strided_slice %broadcast_in_dim3A {offsets = [0, 512], sizes = [1, 128], strides = [1, 1]} : vector<1x1024xf32> to vector<1x128xf32>
    %add3A_68 = vector.broadcast %slice3A_67 : vector<1x128xf32> to vector<2048x128xf32>
    %add3A_69 = arith.addf %add3A_66, %add3A_68 : vector<2048x128xf32>
    %lt3A_70 = arith.cmpf olt, %add3A_69, %select_n3A_57 : vector<2048x128xf32>
    %select_n3A_71 = arith.select %lt3A_70, %add3A_69, %select_n3A_57 : vector<2048x128xi1>, vector<2048x128xf32>
    %add3A_72 = arith.constant 512 : i32
    %add3A_73 = vector.broadcast %add3A_72 : i32 to vector<1x128xi32>
    %add3A_74 = arith.addi %iota3A, %add3A_73 : vector<1x128xi32>
    %broadcast_in_dim3A_75 = vector.shape_cast %add3A_74 : vector<1x128xi32> to vector<1x128xi32>
    %broadcast_in_dim3A_76 = vector.broadcast %broadcast_in_dim3A_75 : vector<1x128xi32> to vector<2048x128xi32>
    %select_n3A_77 = arith.select %lt3A_70, %broadcast_in_dim3A_76, %select_n3A_63 : vector<2048x128xi1>, vector<2048x128xi32>
    %slice3A_78 = vector.extract_strided_slice %dot_general3A_11 {offsets = [0, 640], sizes = [2048, 128], strides = [1, 1]} : vector<2048x1024xf32> to vector<2048x128xf32>
    %add3A_79 = vector.broadcast %broadcast_in_dim3A_17 : vector<2048x1xf32> to vector<2048x128xf32>
    %add3A_80 = arith.addf %add3A_79, %slice3A_78 : vector<2048x128xf32>
    %slice3A_81 = vector.extract_strided_slice %broadcast_in_dim3A {offsets = [0, 640], sizes = [1, 128], strides = [1, 1]} : vector<1x1024xf32> to vector<1x128xf32>
    %add3A_82 = vector.broadcast %slice3A_81 : vector<1x128xf32> to vector<2048x128xf32>
    %add3A_83 = arith.addf %add3A_80, %add3A_82 : vector<2048x128xf32>
    %lt3A_84 = arith.cmpf olt, %add3A_83, %select_n3A_71 : vector<2048x128xf32>
    %select_n3A_85 = arith.select %lt3A_84, %add3A_83, %select_n3A_71 : vector<2048x128xi1>, vector<2048x128xf32>
    %add3A_86 = arith.constant 640 : i32
    %add3A_87 = vector.broadcast %add3A_86 : i32 to vector<1x128xi32>
    %add3A_88 = arith.addi %iota3A, %add3A_87 : vector<1x128xi32>
    %broadcast_in_dim3A_89 = vector.shape_cast %add3A_88 : vector<1x128xi32> to vector<1x128xi32>
    %broadcast_in_dim3A_90 = vector.broadcast %broadcast_in_dim3A_89 : vector<1x128xi32> to vector<2048x128xi32>
    %select_n3A_91 = arith.select %lt3A_84, %broadcast_in_dim3A_90, %select_n3A_77 : vector<2048x128xi1>, vector<2048x128xi32>
    %slice3A_92 = vector.extract_strided_slice %dot_general3A_11 {offsets = [0, 768], sizes = [2048, 128], strides = [1, 1]} : vector<2048x1024xf32> to vector<2048x128xf32>
    %add3A_93 = vector.broadcast %broadcast_in_dim3A_17 : vector<2048x1xf32> to vector<2048x128xf32>
    %add3A_94 = arith.addf %add3A_93, %slice3A_92 : vector<2048x128xf32>
    %slice3A_95 = vector.extract_strided_slice %broadcast_in_dim3A {offsets = [0, 768], sizes = [1, 128], strides = [1, 1]} : vector<1x1024xf32> to vector<1x128xf32>
    %add3A_96 = vector.broadcast %slice3A_95 : vector<1x128xf32> to vector<2048x128xf32>
    %add3A_97 = arith.addf %add3A_94, %add3A_96 : vector<2048x128xf32>
    %lt3A_98 = arith.cmpf olt, %add3A_97, %select_n3A_85 : vector<2048x128xf32>
    %select_n3A_99 = arith.select %lt3A_98, %add3A_97, %select_n3A_85 : vector<2048x128xi1>, vector<2048x128xf32>
    %add3A_100 = arith.constant 768 : i32
    %add3A_101 = vector.broadcast %add3A_100 : i32 to vector<1x128xi32>
    %add3A_102 = arith.addi %iota3A, %add3A_101 : vector<1x128xi32>
    %broadcast_in_dim3A_103 = vector.shape_cast %add3A_102 : vector<1x128xi32> to vector<1x128xi32>
    %broadcast_in_dim3A_104 = vector.broadcast %broadcast_in_dim3A_103 : vector<1x128xi32> to vector<2048x128xi32>
    %select_n3A_105 = arith.select %lt3A_98, %broadcast_in_dim3A_104, %select_n3A_91 : vector<2048x128xi1>, vector<2048x128xi32>
    %slice3A_106 = vector.extract_strided_slice %dot_general3A_11 {offsets = [0, 896], sizes = [2048, 128], strides = [1, 1]} : vector<2048x1024xf32> to vector<2048x128xf32>
    %add3A_107 = vector.broadcast %broadcast_in_dim3A_17 : vector<2048x1xf32> to vector<2048x128xf32>
    %add3A_108 = arith.addf %add3A_107, %slice3A_106 : vector<2048x128xf32>
    %slice3A_109 = vector.extract_strided_slice %broadcast_in_dim3A {offsets = [0, 896], sizes = [1, 128], strides = [1, 1]} : vector<1x1024xf32> to vector<1x128xf32>
    %add3A_110 = vector.broadcast %slice3A_109 : vector<1x128xf32> to vector<2048x128xf32>
    %add3A_111 = arith.addf %add3A_108, %add3A_110 : vector<2048x128xf32>
    %lt3A_112 = arith.cmpf olt, %add3A_111, %select_n3A_99 : vector<2048x128xf32>
    %select_n3A_113 = arith.select %lt3A_112, %add3A_111, %select_n3A_99 : vector<2048x128xi1>, vector<2048x128xf32>
    %add3A_114 = arith.constant 896 : i32
    %add3A_115 = vector.broadcast %add3A_114 : i32 to vector<1x128xi32>
    %add3A_116 = arith.addi %iota3A, %add3A_115 : vector<1x128xi32>
    %broadcast_in_dim3A_117 = vector.shape_cast %add3A_116 : vector<1x128xi32> to vector<1x128xi32>
    %broadcast_in_dim3A_118 = vector.broadcast %broadcast_in_dim3A_117 : vector<1x128xi32> to vector<2048x128xi32>
    %select_n3A_119 = arith.select %lt3A_112, %broadcast_in_dim3A_118, %select_n3A_105 : vector<2048x128xi1>, vector<2048x128xi32>
    %reduce_min3A = arith.constant dense<0x7F800000> : vector<2048xf32>
    %reduce_min3A_120 = vector.multi_reduction <minimumf>, %select_n3A_113, %reduce_min3A [1] : vector<2048x128xf32> to vector<2048xf32>
    %broadcast_in_dim3A_121 = vector.shape_cast %reduce_min3A_120 : vector<2048xf32> to vector<2048x1xf32>
    %eq3A = vector.broadcast %broadcast_in_dim3A_121 : vector<2048x1xf32> to vector<2048x128xf32>
    %eq3A_122 = arith.cmpf oeq, %select_n3A_113, %eq3A : vector<2048x128xf32>
    %jit3A = arith.constant 1024 : i32
    %broadcast_in_dim3A_123 = vector.broadcast %jit3A : i32 to vector<2048x128xi32>
    %select_n3A_124 = arith.select %eq3A_122, %select_n3A_119, %broadcast_in_dim3A_123 : vector<2048x128xi1>, vector<2048x128xi32>
    %reduce_min3A_125 = arith.constant dense<2147483647> : vector<2048xi32>
    %reduce_min3A_126 = vector.multi_reduction <minsi>, %select_n3A_124, %reduce_min3A_125 [1] : vector<2048x128xi32> to vector<2048xi32>
    %mul3A_127 = arith.constant 1024 : i32
    %mul3A_128 = arith.muli %arg0, %mul3A_127 : i32
    %add3A_129 = vector.broadcast %mul3A_128 : i32 to vector<2048xi32>
    %add3A_130 = arith.addi %reduce_min3A_126, %add3A_129 : vector<2048xi32>
    %swap3A = arith.constant 0 : index
    %swap3A_131 = arith.constant 0 : index
    %swap3A_132 = arith.constant 0 : index
    %swap3A_133 = vector.load %arg4[%swap3A, %swap3A_131, %swap3A_132] : memref<1x1x2048xi32, #tpu.memory_space<vmem>>, vector<1x1x2048xi32>
    %swap3A_134 = vector.shape_cast %swap3A_133 : vector<1x1x2048xi32> to vector<2048xi32>
    %swap3A_135 = vector.shape_cast %add3A_130 : vector<2048xi32> to vector<1x1x2048xi32>
    tpu.vector_store %arg4[%swap3A, %swap3A_131, %swap3A_132], %swap3A_135 {strides = array<i32>} : memref<1x1x2048xi32, #tpu.memory_space<vmem>>, vector<1x1x2048xi32>,
    %eq3A_136 = arith.constant 0 : i32
    %eq3A_137 = arith.cmpi eq, %arg1, %eq3A_136 : i32
    %convert_element_type3A = arith.extui %eq3A_137 : i1 to i32
    %cond3A = arith.constant 0 : i32
    %cond3A_138 = arith.cmpi ne, %convert_element_type3A, %cond3A : i32
    scf.if %cond3A_138 {
      %transpose3A = tpu.transpose %get3A_8, [1, 0] : vector<256x1024xf32> -> vector<1024x256xf32>
      %swap3A_158 = arith.constant 0 : index
      %swap3A_159 = arith.constant 0 : index
      %swap3A_160 = arith.constant 0 : index
      %swap3A_161 = vector.load %arg6[%swap3A_158, %swap3A_159, %swap3A_160] : memref<1x1024x256xf32, #tpu.memory_space<vmem>>, vector<1x1024x256xf32>
      %swap3A_162 = vector.shape_cast %swap3A_161 : vector<1x1024x256xf32> to vector<1024x256xf32>
      %swap3A_163 = vector.shape_cast %transpose3A : vector<1024x256xf32> to vector<1x1024x256xf32>
      tpu.vector_store %arg6[%swap3A_158, %swap3A_159, %swap3A_160], %swap3A_163 {strides = array<i32>} : memref<1x1024x256xf32, #tpu.memory_space<vmem>>, vector<1x1024x256xf32>,
    } else {
    }
    %eq3A_139 = arith.constant 0 : i32
    %eq3A_140 = arith.cmpi eq, %arg0, %eq3A_139 : i32
    %eq3A_141 = arith.constant 0 : i32
    %eq3A_142 = arith.cmpi eq, %arg1, %eq3A_141 : i32
    %and3A = arith.andi %eq3A_140, %eq3A_142 : i1
    %convert_element_type3A_143 = arith.extui %and3A : i1 to i32
    %cond3A_144 = arith.constant 0 : i32
    %cond3A_145 = arith.cmpi ne, %convert_element_type3A_143, %cond3A_144 : i32
    scf.if %cond3A_145 {
      %swap3A_158 = arith.constant 0.000000e+00 : f32
      %swap3A_159 = arith.constant 0 : index
      %swap3A_160 = arith.constant 0 : index
      %swap3A_161 = memref.load %arg5[%swap3A_159, %swap3A_160] : memref<1x1xf32, #tpu.memory_space<smem>>
      memref.store %swap3A_158, %arg5[%swap3A_159, %swap3A_160] : memref<1x1xf32, #tpu.memory_space<smem>>
    } else {
    }
    %get3A_146 = arith.constant 0 : index
    %get3A_147 = arith.constant 0 : index
    %get3A_148 = memref.load %arg5[%get3A_146, %get3A_147] : memref<1x1xf32, #tpu.memory_space<smem>>
    %reduce_sum3A_149 = vector.shape_cast %reduce_min3A_120 : vector<2048xf32> to vector<1x2048xf32>
    %reduce_sum3A_150 = arith.constant dense<0.000000e+00> : vector<1xf32>
    %reduce_sum3A_151 = vector.multi_reduction <add>, %reduce_sum3A_149, %reduce_sum3A_150 [1] : vector<1x2048xf32> to vector<1xf32>
    %reduce_sum3A_152 = vector.shape_cast %reduce_sum3A_151 : vector<1xf32> to vector<1x1xf32>
    %reduce_sum3A_153 = vector.extract %reduce_sum3A_152[0, 0] : f32 from vector<1x1xf32>
    %add3A_154 = arith.addf %get3A_148, %reduce_sum3A_153 : f32
    %swap3A_155 = arith.constant 0 : index
    %swap3A_156 = arith.constant 0 : index
    %swap3A_157 = memref.load %arg5[%swap3A_155, %swap3A_156] : memref<1x1xf32, #tpu.memory_space<smem>>
    memref.store %add3A_154, %arg5[%swap3A_155, %swap3A_156] : memref<1x1xf32, #tpu.memory_space<smem>>
    return
  }
  func.func @transform_0(%arg0: i32, %arg1: i32) -> (i32, i32, i32) {
    %c0_i32 = arith.constant 0 : i32
    %c0_i32_0 = arith.constant 0 : i32
    return %arg0, %arg1, %c0_i32 : i32, i32, i32
  }
  func.func @transform_1(%arg0: i32, %arg1: i32) -> (i32, i32, i32) {
    %c0_i32 = arith.constant 0 : i32
    %c0_i32_0 = arith.constant 0 : i32
    %c0_i32_1 = arith.constant 0 : i32
    return %arg0, %c0_i32, %c0_i32_0 : i32, i32, i32
  }
  func.func @transform_2(%arg0: i32, %arg1: i32) -> (i32, i32, i32) {
    %mul3A = arith.constant 2 : i32
    %mul3A_0 = arith.muli %arg0, %mul3A : i32
    %add3A = arith.addi %mul3A_0, %arg1 : i32
    %c0_i32 = arith.constant 0 : i32
    %c0_i32_1 = arith.constant 0 : i32
    %c0_i32_2 = arith.constant 0 : i32
    return %add3A, %c0_i32, %c0_i32_1 : i32, i32, i32
  }
  func.func @transform_3(%arg0: i32, %arg1: i32) -> (i32, i32) {
    %c0_i32 = arith.constant 0 : i32
    %c0_i32_0 = arith.constant 0 : i32
    %c0_i32_1 = arith.constant 0 : i32
    return %c0_i32, %c0_i32_0 : i32, i32
  }
  func.func @transform_4(%arg0: i32, %arg1: i32) -> (i32, i32, i32) {
    %c0_i32 = arith.constant 0 : i32
    %c0_i32_0 = arith.constant 0 : i32
    %c0_i32_1 = arith.constant 0 : i32
    return %arg0, %c0_i32, %c0_i32_0 : i32, i32, i32
  }
}

</mosaic_0001>

<sc_bundles>
// kernel: kernel.4.cloned.1.call-start
scs
__scs_entry_jumppad:
0x0: {  	(pc) =	sbr.rel $0x88, $3  }
0x1: {  	(tag) =	ssettag $0x0;
	lr =	simm.s32 $0x1  }
0x2: {  	[smem:$0x3F9F] =	sst lr;
	_ =	strace $0xD0000000  }
0x3: {  	_ = 	snop  }
0x4: {  	_ = 	snop  }
0x5: {  	_ = 	snop  }
0x6: {  	_ = 	snop  }
0x7: {  	_ = 	snop  }
__scs_overlays_trampoline_lowered:
0x8: {  	[smem:$0x3FAE] =	sst s0  }
0x9: {  	[smem:$0x3FAF] =	sst s1  }
0xa: {  	[smem:$0x3FB0] =	sst s2  }
0xb: {  	[smem:$0x3FB1] =	sst s3  }
0xc: {  	[smem:$0x3FB2] =	sst s4  }
0xd: {  	[smem:$0x3FB3] =	sst s5  }
0xe: {  	[smem:$0x3FB4] =	sst s6  }
0xf: {  	[smem:$0x3FB5] =	sst s7  }
0x10: {  	[smem:$0x3FB6] =	sst s8  }
0x11: {  	[smem:$0x3FB7] =	sst s9;
	s0 =	simm.s32 @!p0 $0x0  }
0x12: {  	s1 =	sld [smem:$0x3F9D];
	s0 =	simm.s32 @p0 $0x1  }
0x13: {  	[smem:$0x3FB8] =	sst s0;
	s0 =	simm.s32 @!p1 $0x0  }
0x14: {  	s2 =	sld [smem:$0x3F9C];
	s0 =	simm.s32 @p1 $0x1  }
0x15: {  	[smem:$0x3FB9] =	sst s0;
	s0 =	simm.s32 @!p2 $0x0  }
0x16: {  	s3 =	sld [smem:$0x3FDB];
	s0 =	simm.s32 @p2 $0x1  }
0x17: {  	s4 =	simm.s32 $0x1BF5;
	[smem:$0x3FBB] =	sst s0  }
0x18: {  	s0 =	sld [smem:$0x3F9E];
	_ =	swait.ge [sflag:s4], $0x0  }
0x19: {  	s7 =	sld [smem:$0x3F9F]  }
0x1a: {  	s8 =	sadd.s32 $0xFFFFE003, lr  }
0x1b: {  	s9 =	sadd.s32 $0xFFFFFEF7, lr;
	s5 =	simm.s32 $0xFFFFFFFF;
	p2 =	slt.u32 s8, $0xFFFFF086  }
0x1c: {  	p1 =	slt.u32 s9, $0xF7A;
	s5 =	simm.s32 @!p2 $0x0  }
0x1d: {  	s5 =	simm.s32 @p1 $0x1;
	p0 =	seq.s32 s7, s2  }
0x1e: {  	s7 =	smul.u32 @!p0 $0xF7A, s2;
	p2 =	seq.s32 @!p0 s5, $0x0  }
0x1f: {  	s9 =	smul.u32 $0xF7A, s1;
	s8 =	simm.s32 @!p0 $0x1BF5;
	p2 =	por !p2, p0  }
0x20: {  	[sflag:s8] =	ssyncset.s32 @!p0 $0xFFFFF086;
	s6 =	sadd.s32 @!p0 s3, s7;
	s7 =	simm.s32 @!p0 $0x108  }
0x21: {  	s3 =	sadd.s32 s3, s9;
	s6 =	sadd.s32 @!p0 $0x88, s6;
	s7 =	simm.s32 @p2 $0x1082  }
0x22: {  	[simem:s7], [sflag:s8] =	dma.local @!p0 [hbm:s6], $0xF7A  }
0x23: {  	s9 =	sor.u32 $0xD0000000, s2;
	s6 =	simm.s32 $0x108;
	_ =	swait.ge @!p0 [sflag:s8], $0x0  }
0x24: {  	s3 =	sadd.s32 $0x88, s3;
	s6 =	simm.s32 @!p1 $0x1082;
	[sflag:s4] =	ssyncset.s32 $0xFFFFF086  }
0x25: {  	[simem:s6], [sflag:s4] =	dma.local [hbm:s3], $0xF7A  }
0x26: {  	[smem:$0x3F9F] =	sst s1;
	(tag) =	ssettag s2;
	_ =	strace s9  }
0x27: {  	s1 =	sld [smem:$0x3FAF]  }
0x28: {  	s2 =	sld [smem:$0x3FB0]  }
0x29: {  	s4 =	sld [smem:$0x3FB2]  }
0x2a: {  	p0 =	seq.s32 s5, $0x0;
	s5 =	sld [smem:$0x3FB3]  }
0x2b: {  	s6 =	sld [smem:$0x3FB4]  }
0x2c: {  	s7 =	sld [smem:$0x3FB5]  }
0x2d: {  	s3 =	simm.s32 $0x108;
	s8 =	sld [smem:$0x3FB6]  }
0x2e: {  	s3 =	simm.s32 @!p0 $0x1082;
	s9 =	sld [smem:$0x3FB7]  }
0x2f: {  	lr =	sadd.s32 s0, s3;
	s0 =	sld [smem:$0x3FAE]  }
0x30: {  	s3 =	sld [smem:$0x3FB1]  }
0x31: {  	[smem:$0x3FBA] =	sst s10  }
0x32: {  	s10 =	sld [smem:$0x3FB8];
	_ =	sdelay $0x3  }
0x33: {  	p0 =	seq.s32 s10, $0x1;
	s10 =	sld [smem:$0x3FBA];
	_ =	sdelay $0x3  }
0x34: {  	[smem:$0x3FBA] =	sst s10  }
0x35: {  	s10 =	sld [smem:$0x3FB9];
	_ =	sdelay $0x3  }
0x36: {  	p1 =	seq.s32 s10, $0x1;
	s10 =	sld [smem:$0x3FBA];
	_ =	sdelay $0x3  }
0x37: {  	[smem:$0x3FBA] =	sst s10  }
0x38: {  	s10 =	sld [smem:$0x3FBB]  }
0x39: {  	_ = 	snop;
	(pc) =	sbr.ind lr, $3  }
0x3a: {  	_ = 	snop  }
0x3b: {  	_ = 	snop  }
0x3c: {  	p2 =	seq.s32 s10, $0x1;
	s10 =	sld [smem:$0x3FBA]  }
0x3d: {  	_ =	shalt  }
0x3e: {  	_ =	shalt  }
0x3f: {  	_ =	shalt  }
0x40: {  	_ =	shalt  }
0x41: {  	_ =	shalt  }
0x42: {  	_ =	shalt  }
0x43: {  	_ =	shalt  }
0x44: {  	_ =	shalt  }
0x45: {  	_ =	shalt  }
0x46: {  	_ =	shalt  }
0x47: {  	_ =	shalt  }
0x48: {  	_ =	shalt  }
0x49: {  	_ =	shalt  }
0x4a: {  	_ =	shalt  }
0x4b: {  	_ =	shalt  }
0x4c: {  	_ =	shalt  }
0x4d: {  	_ =	shalt  }
0x4e: {  	_ =	shalt  }
0x4f: {  	_ =	shalt  }
0x50: {  	_ =	shalt  }
0x51: {  	_ =	shalt  }
0x52: {  	_ =	shalt  }
0x53: {  	_ =	shalt  }
0x54: {  	_ =	shalt  }
0x55: {  	_ =	shalt  }
0x56: {  	_ =	shalt  }
0x57: {  	_ =	shalt  }
0x58: {  	_ =	shalt  }
0x59: {  	_ =	shalt  }
0x5a: {  	_ =	shalt  }
0x5b: {  	_ =	shalt  }
0x5c: {  	_ =	shalt  }
0x5d: {  	_ =	shalt  }
0x5e: {  	_ =	shalt  }
0x5f: {  	_ =	shalt  }
0x60: {  	_ =	shalt  }
0x61: {  	_ =	shalt  }
0x62: {  	_ =	shalt  }
0x63: {  	_ =	shalt  }
0x64: {  	_ =	shalt  }
0x65: {  	_ =	shalt  }
0x66: {  	_ =	shalt  }
0x67: {  	_ =	shalt  }
0x68: {  	_ =	shalt  }
0x69: {  	_ =	shalt  }
0x6a: {  	_ =	shalt  }
0x6b: {  	_ =	shalt  }
0x6c: {  	_ =	shalt  }
0x6d: {  	_ =	shalt  }
0x6e: {  	_ =	shalt  }
0x6f: {  	_ =	shalt  }
0x70: {  	_ =	shalt  }
0x71: {  	_ =	shalt  }
0x72: {  	_ =	shalt  }
0x73: {  	_ =	shalt  }
0x74: {  	_ =	shalt  }
0x75: {  	_ =	shalt  }
0x76: {  	_ =	shalt  }
0x77: {  	_ =	shalt  }
0x78: {  	_ =	shalt  }
0x79: {  	_ =	shalt  }
0x7a: {  	_ =	shalt  }
0x7b: {  	_ =	shalt  }
0x7c: {  	_ =	shalt  }
0x7d: {  	_ =	shalt  }
0x7e: {  	_ =	shalt  }
0x7f: {  	_ =	shalt  }
0x80: {  	_ =	shalt  }
0x81: {  	_ =	shalt  }
0x82: {  	_ =	shalt  }
0x83: {  	_ =	shalt  }
0x84: {  	_ =	shalt  }
0x85: {  	_ =	shalt  }
0x86: {  	_ =	shalt  }
0x87: {  	_ =	shalt  }
.Lfunc_end0:
.L_simem_size_0:
called_computation_lowered:
.L_overlay_start_0:
0x88: {  	s2 =	sld [smem:$0x3FD9]  }
0x89: {  	s3 =	sld [smem:$0x3FFE];
	_ =	sdelay $0x1  }
0x8a: {  	s1 =	srdreg.scid  }
0x8b: {  	s0 =	sand.u32 $0x1, s1  }
0x8c: {  	s14 =	sshll.u32 s0, $0xA;
	s2 =	sadd.s32 s3, s2  }
0x8d: {  	s2 =	sadd.s32 s2, s14  }
0x8e: {  	[smem:$0x3FC6] =	sst s2  }
0x8f: {  	_ = 	snop  }
0x90: {  	s2 =	sld [smem:$0x3FD0];
	_ =	sdelay $0x2  }
0x91: {  	s15 =	simm.s32 $0xA;
	s4 =	simm.s32 $0x10  }
0x92: {  	[smem:s4], [sflag:s15] =	dma.local [hbm:s2], $0x1  }
0x93: {  	_ =	swait.eq [sflag:s15], $0x1  }
0x94: {  	[sflag:s15] =	ssyncset.done $0x0  }
0x95: {  	[sflag:s15] =	ssyncadd.s32 $0xFFFFFFFF  }
0x96: {  	s16 =	sld [smem:$0x10];
	(tm) =	ssettm $0x1  }
0x97: {  	s17 =	sld [smem:$0x3FFB];
	_ =	sdelay $0x3  }
0x98: {  	_ =	strace s17  }
0x99: {  	s3 =	sld [smem:$0x3FFC];
	_ =	sdelay $0x3  }
0x9a: {  	_ =	strace s3  }
0x9b: {  	s3 =	sld [smem:$0x3FFD];
	_ =	sdelay $0x3  }
0x9c: {  	_ =	strace s3  }
0x9d: {  	_ =	strace $0x8FFFFFFF  }
0x9e: {  	s18 =	sld [smem:$0x3FDB];
	_ =	sdelay $0x1  }
0x9f: {  	s19 =	simm.s32 $_scs_section_size  }
0xa0: {  	s5 =	simm.s32 $_size__tile_overlayer_lowered;
	s6 =	simm.s32 $_tile_overlayer_lowered  }
0xa1: {  	s22 =	simm.s32 $0x1BFF;
	s21 =	sshll.u32 s6, $0x1;
	s3 =	sadd.s32 s19, s18  }
0xa2: {  	s7 =	simm.s32 $0x0;
	s20 =	sshll.u32 s5, $0x1;
	s5 =	sadd.s32 s21, s3  }
0xa3: {  	[timem:s7], [sflag:s22] =	dma.local [hbm:s5], s20  }
0xa4: {  	_ =	swait.ge [sflag:s22], s20  }
0xa5: {  	s4 =	ssub.s32 $0x0, s20;
	[sflag:s22] =	ssyncset.done $0x0  }
0xa6: {  	[sflag:s22] =	ssyncadd.s32 s4;
	_ =	sdelay $0x1  }
0xa7: {  	s23 =	simm.s32 $0x1B8B  }
0xa8: {  	_ =	swait.ge [sflag:s23], $0x1  }
0xa9: {  	[sflag:s23] =	ssyncset.done $0x0  }
0xaa: {  	s25 =	simm.s32 $0x1B8E;
	s24 =	sld [smem:$0x3FFE];
	[sflag:s23] =	ssyncadd.s32 $0xFFFFFFFF  }
0xab: {  	s26 =	simm.s32 $execute0_lowered;
	[smem:$0x3FD2] =	sst s25  }
0xac: {  	s5 =	sshll.u32 s26, $0x1;
	_ =	strace $0x80000046;
	[dreg:$0x1] =	wrdreg $0xFFFFFFFF  }
0xad: {  	s28 =	simm.s32 $_size_execute0_lowered;
	s3 =	sadd.s32 s3, s5;
	[dreg:$0x0] =	wrdreg $0x0  }
0xae: {  	s5 =	sshll.u32 s28, $0x1;
	[dreg:$0x2] =	wrdreg s3  }
0xaf: {  	[dreg:$0x3] =	wrdreg s5  }
0xb0: {  	[dreg:$0x4] =	wrdreg $0xC0  }
0xb1: {  	_ =	task [dreg:s7], $0x5FFFF  }
0xb2: {  	[dreg:$0x1] =	wrdreg $0xFFFFFFFF  }
0xb3: {  	[dreg:$0x0] =	wrdreg $0x60  }
0xb4: {  	[dreg:$0x2] =	wrdreg s24  }
0xb5: {  	[dreg:$0x3] =	wrdreg s16  }
0xb6: {  	[dreg:$0x4] =	wrdreg $0x9  }
0xb7: {  	_ =	task.clear_ibuf [dreg:s7], $0x5FFFF;
	_ =	strace $0x90000046  }
0xb8: {  	s29 =	simm.s32 $0x9;
	_ =	strace $0x80000048  }
0xb9: {  	_ =	swait.ge [sflag:s29], $0x1  }
0xba: {  	[sflag:s29] =	ssyncadd.s32 $0xFFFFFFFF  }
0xbb: {  	_ =	strace $0x90000048  }
0xbc: {  	_ =	sfence  }
0xbd: {  	s30 =	sld [smem:$0x0];
	_ =	sdelay $0x2  }
0xbe: {  	s31 =	sshll.u32 s1, $0xD;
	s1 =	sshrl.u32 s1, $0x2  }
0xbf: {  	s3 =	sand.u32 $0x4000, s31;
	s1 =	sadd.s32 s1, s30  }
0xc0: {  	s0 =	sor.u32 s3, s0;
	s1 =	sshll.u32 s1, $0x11  }
0xc1: {  	s0 =	sor.u32 s1, s0  }
0xc2: {  	s0 =	sadd.s32 $0x8F2B, s0  }
0xc3: {  	[sflag:s0] =	ssyncadd.remote.s32 $0x1  }
0xc4: {  	_ =	sfence.sel $0xFFFF  }
0xc5: {  	[dreg:$0x0] =	wrdreg $0xFFFFFFFF;
	(pc) =	sbr.abs _section_cstart, $3  }
0xc6: {  	[dreg:$0x1] =	wrdreg $0xFFFFFFFF  }
0xc7: {  	_ =	task.clear_ibuf [dreg:s7], $0x2FFFF;
	_ =	strace $0x9FFFFFFF  }
0xc8: {  	(tm) =	ssettm $0x7FFFFFFF  }
0xc9: {  	_ =	shalt  }
tec
execute0_lowered:
.L_overlay_start_1:
0x0: {  	(tag) =	ssettag $0x1  }
0x1: {  	s0 =	srdreg.scid;
	s1 =	rddreg [dreg:$0x0]  }
0x2: {  	s2 =	stileid.u32;
	s4 =	rddreg [dreg:$0x1];
	s15 =	simm.s32 $0x3  }
0x3: {  	s16 =	simm.s32 $0x2;
	s17 =	simm.s32 $0x4;
	s19 =	simm.s32 $0x1200  }
0x4: {  	s20 =	simm.s32 $0x1A00;
	s21 =	simm.s32 $0x2200;
	s28 =	simm.s32 $0x4A00  }
0x5: {  	s29 =	simm.s32 $0x5200;
	s30 =	simm.s32 $0x5A00;
	s31 =	simm.s32 $0x6200  }
0x6: {  	s8 =	simm.s32 $0x7A00;
	s14 =	simm.s32 $0x8200;
	s9 =	simm.s32 $0x8A00  }
0x7: {  	s10 =	simm.s32 $0x9200;
	s11 =	simm.s32 $0x9A00;
	s13 =	simm.s32 $0xAA00  }
0x8: {  	s0 =	sand.u32 $0x1, s0;
	s3 =	sshll.u32 s2, $0xA;
	s2 =	simm.s32 $0x0  }
0x9: {  	s7 =	simm.s32 $0xBA00;
	s5 =	sshll.u32 s0, $0x9;
	[smem:$0x7FF] =	sst s2  }
0xa: {  	s0 =	ssub.s32 $0x2, s0;
	s3 =	sor.u32 s5, s3;
	_ =	strace $0x80000047  }
0xb: {  	s24 =	sshrl.u32 s0, $0x1;
	s5 =	sshrl.u32 s3, $0x3;
	s6 =	sshll.u32 s3, $0x5  }
0xc: {  	s3 =	sadd.s32 $0xC00, s1;
	s5 =	sadd.s32 s5, s1;
	s4 =	sadd.s32 s4, s6  }
0xd: {  	s0 =	ssub.s32 s0, s24;
	s22 =	sadd.s32 $0x20C00, s5;
	[dreg:$0x7] =	wrdreg s4  }
0xe: {  	s24 =	simm.s32 $0x3200;
	s23 =	sadd.s32 $0x1000, s4;
	[dreg:$0x3] =	wrdreg s22  }
0xf: {  	s1 =	simm.s32 $0x6A00;
	s25 =	sadd.s32 $0x2000, s4;
	[dreg:$0x4] =	wrdreg s23  }
0x10: {  	v2 =	vlaneseq.u32;
	s26 =	sadd.s32 $0x3000, s4;
	s5 =	smax.u32 s0, $0x1;
	[dreg:$0x5] =	wrdreg s25  }
0x11: {  	vm0 =	vmmov $0xffff;
	v1 =	vshrl.u32 v2, $0x3;
	s4 =	simm.s32 $0x1;
	[dreg:$0x6] =	wrdreg s26;
	s22 =	simm.s32 $0x2A00  }
0x12: {  	v0 =	vand.u32 $0x7, v2;
	v2 =	vor.u32 $0x8, v2;
	v1 =	vmul.u32 $0x8, v1;
	s25 =	simm.s32 $0x3A00;
	s26 =	simm.s32 $0x4200;
	s23 =	simm.s32 $0x200  }
.LBB2_1:
0x13: {  	s18 =	rddreg [dreg:$0x3];
	s0 =	simm.s32 $0x5  }
0x14: {  	[tilespmem:s2], [sflag:$0x5] =	stream.linear.gather [hbm4b:s18+s2], $0x200, $0x38;
	[tilespmem:$0x10200] =	vst v63  }
0x15: {  	_ =	swait.ge [sflag:s0], $0x200  }
0x16: {  	[sflag:s0] =	ssyncset.done $0x0  }
0x17: {  	[sflag:s0] =	ssyncadd.s32 $0xFFFFFE00  }
0x18: {  	v3 =	vld [tilespmem:$0x0];
	_ =	sdelay $0x4  }
0x19: {  	v4 =	vshll.u32 v3, $0x1  }
0x1a: {  	v3 =	vand.u32 $0x7, v3;
	v4 =	vand.u32 $0xFFFFFFF0, v4  }
0x1b: {  	v3 =	vor.u32 v3, v4  }
0x1c: {  	v4 =	vperm.xlane v3, v0;
	_ =	sdelay $0x1  }
0x1d: {  	v3 =	vperm.xlane v3, v2;
	v4 =	vadd.s32 v1, v4;
	_ =	sdelay $0x1  }
0x1e: {  	v3 =	vadd.s32 v1, v3;
	_ =	sdelay $0x1  }
0x1f: {  	s18 =	simm.s32 $0x200  }
0x20: {  	[tilespmem:s18], [sflag:$0x1] =	stream.indirect_vreg.gather [hbm4b:s3+s2], $0x80, v4, vm0, $0xb8;
	[tilespmem:$0x10200] =	vst v63  }
0x21: {  	s18 =	simm.s32 $0xA00  }
0x22: {  	[tilespmem:s18], [sflag:$0x1] =	stream.indirect_vreg.gather [hbm4b:s3+s2], $0x80, v3, vm0, $0xb8;
	[tilespmem:$0x10200] =	vst v63  }
0x23: {  	v3 =	vld [tilespmem:$0x10];
	_ =	sdelay $0x4  }
0x24: {  	v33 =	vshll.u32 v3, $0x1  }
0x25: {  	v3 =	vand.u32 $0x7, v3;
	v4 =	vand.u32 $0xFFFFFFF0, v33  }
0x26: {  	v3 =	vor.u32 v3, v4  }
0x27: {  	v4 =	vperm.xlane v3, v0;
	_ =	sdelay $0x1  }
0x28: {  	v3 =	vperm.xlane v3, v2;
	v4 =	vadd.s32 v1, v4;
	_ =	sdelay $0x1  }
0x29: {  	v3 =	vadd.s32 v1, v3;
	_ =	sdelay $0x2  }
0x2a: {  	[tilespmem:s19], [sflag:$0x1] =	stream.indirect_vreg.gather [hbm4b:s3+s2], $0x80, v4, vm0, $0xb8;
	[tilespmem:$0x10200] =	vst v63  }
0x2b: {  	_ = 	snop  }
0x2c: {  	[tilespmem:s20], [sflag:$0x1] =	stream.indirect_vreg.gather [hbm4b:s3+s2], $0x80, v3, vm0, $0xb8;
	[tilespmem:$0x10200] =	vst v63  }
0x2d: {  	v3 =	vld [tilespmem:$0x20];
	_ =	sdelay $0x4  }
0x2e: {  	v34 =	vshll.u32 v3, $0x1  }
0x2f: {  	v3 =	vand.u32 $0x7, v3;
	v4 =	vand.u32 $0xFFFFFFF0, v34  }
0x30: {  	v3 =	vor.u32 v3, v4  }
0x31: {  	v4 =	vperm.xlane v3, v0;
	_ =	sdelay $0x1  }
0x32: {  	v3 =	vperm.xlane v3, v2;
	v4 =	vadd.s32 v1, v4;
	_ =	sdelay $0x1  }
0x33: {  	v3 =	vadd.s32 v1, v3;
	_ =	sdelay $0x2  }
0x34: {  	[tilespmem:s21], [sflag:$0x1] =	stream.indirect_vreg.gather [hbm4b:s3+s2], $0x80, v4, vm0, $0xb8;
	[tilespmem:$0x10200] =	vst v63  }
0x35: {  	_ = 	snop  }
0x36: {  	[tilespmem:s22], [sflag:$0x1] =	stream.indirect_vreg.gather [hbm4b:s3+s2], $0x80, v3, vm0, $0xb8;
	[tilespmem:$0x10200] =	vst v63  }
0x37: {  	v3 =	vld [tilespmem:$0x30];
	_ =	sdelay $0x4  }
0x38: {  	v35 =	vshll.u32 v3, $0x1  }
0x39: {  	v3 =	vand.u32 $0x7, v3;
	v4 =	vand.u32 $0xFFFFFFF0, v35  }
0x3a: {  	v3 =	vor.u32 v3, v4  }
0x3b: {  	v4 =	vperm.xlane v3, v0;
	_ =	sdelay $0x1  }
0x3c: {  	v3 =	vperm.xlane v3, v2;
	v4 =	vadd.s32 v1, v4;
	_ =	sdelay $0x1  }
0x3d: {  	v3 =	vadd.s32 v1, v3;
	_ =	sdelay $0x2  }
0x3e: {  	[tilespmem:s24], [sflag:$0x1] =	stream.indirect_vreg.gather [hbm4b:s3+s2], $0x80, v4, vm0, $0xb8;
	[tilespmem:$0x10200] =	vst v63  }
0x3f: {  	_ = 	snop  }
0x40: {  	[tilespmem:s25], [sflag:$0x1] =	stream.indirect_vreg.gather [hbm4b:s3+s2], $0x80, v3, vm0, $0xb8;
	[tilespmem:$0x10200] =	vst v63  }
0x41: {  	v3 =	vld [tilespmem:$0x40];
	_ =	sdelay $0x4  }
0x42: {  	v36 =	vshll.u32 v3, $0x1  }
0x43: {  	v3 =	vand.u32 $0x7, v3;
	v4 =	vand.u32 $0xFFFFFFF0, v36  }
0x44: {  	v3 =	vor.u32 v3, v4  }
0x45: {  	v4 =	vperm.xlane v3, v0;
	_ =	sdelay $0x1  }
0x46: {  	v3 =	vperm.xlane v3, v2;
	v4 =	vadd.s32 v1, v4;
	_ =	sdelay $0x1  }
0x47: {  	v3 =	vadd.s32 v1, v3;
	_ =	sdelay $0x2  }
0x48: {  	[tilespmem:s26], [sflag:$0x1] =	stream.indirect_vreg.gather [hbm4b:s3+s2], $0x80, v4, vm0, $0xb8;
	[tilespmem:$0x10200] =	vst v63  }
0x49: {  	_ = 	snop  }
0x4a: {  	[tilespmem:s28], [sflag:$0x1] =	stream.indirect_vreg.gather [hbm4b:s3+s2], $0x80, v3, vm0, $0xb8;
	[tilespmem:$0x10200] =	vst v63  }
0x4b: {  	v3 =	vld [tilespmem:$0x50];
	_ =	sdelay $0x4  }
0x4c: {  	v37 =	vshll.u32 v3, $0x1  }
0x4d: {  	v3 =	vand.u32 $0x7, v3;
	v4 =	vand.u32 $0xFFFFFFF0, v37  }
0x4e: {  	v3 =	vor.u32 v3, v4  }
0x4f: {  	v4 =	vperm.xlane v3, v0;
	_ =	sdelay $0x1  }
0x50: {  	v3 =	vperm.xlane v3, v2;
	v4 =	vadd.s32 v1, v4;
	_ =	sdelay $0x1  }
0x51: {  	v3 =	vadd.s32 v1, v3;
	_ =	sdelay $0x2  }
0x52: {  	[tilespmem:s29], [sflag:$0x1] =	stream.indirect_vreg.gather [hbm4b:s3+s2], $0x80, v4, vm0, $0xb8;
	[tilespmem:$0x10200] =	vst v63  }
0x53: {  	_ = 	snop  }
0x54: {  	[tilespmem:s30], [sflag:$0x1] =	stream.indirect_vreg.gather [hbm4b:s3+s2], $0x80, v3, vm0, $0xb8;
	[tilespmem:$0x10200] =	vst v63  }
0x55: {  	v3 =	vld [tilespmem:$0x60];
	_ =	sdelay $0x4  }
0x56: {  	v38 =	vshll.u32 v3, $0x1  }
0x57: {  	v3 =	vand.u32 $0x7, v3;
	v4 =	vand.u32 $0xFFFFFFF0, v38  }
0x58: {  	v3 =	vor.u32 v3, v4  }
0x59: {  	v4 =	vperm.xlane v3, v0;
	_ =	sdelay $0x1  }
0x5a: {  	v3 =	vperm.xlane v3, v2;
	v4 =	vadd.s32 v1, v4;
	_ =	sdelay $0x1  }
0x5b: {  	v3 =	vadd.s32 v1, v3;
	_ =	sdelay $0x2  }
0x5c: {  	[tilespmem:s31], [sflag:$0x1] =	stream.indirect_vreg.gather [hbm4b:s3+s2], $0x80, v4, vm0, $0xb8;
	[tilespmem:$0x10200] =	vst v63  }
0x5d: {  	_ = 	snop  }
0x5e: {  	[tilespmem:s1], [sflag:$0x1] =	stream.indirect_vreg.gather [hbm4b:s3+s2], $0x80, v3, vm0, $0xb8;
	[tilespmem:$0x10200] =	vst v63  }
0x5f: {  	v3 =	vld [tilespmem:$0x70];
	_ =	sdelay $0x4  }
0x60: {  	v39 =	vshll.u32 v3, $0x1  }
0x61: {  	v3 =	vand.u32 $0x7, v3;
	v4 =	vand.u32 $0xFFFFFFF0, v39  }
0x62: {  	v3 =	vor.u32 v3, v4  }
0x63: {  	v4 =	vperm.xlane v3, v0;
	_ =	sdelay $0x1  }
0x64: {  	v3 =	vperm.xlane v3, v2;
	v4 =	vadd.s32 v1, v4;
	_ =	sdelay $0x1  }
0x65: {  	v3 =	vadd.s32 v1, v3;
	_ =	sdelay $0x1  }
0x66: {  	s0 =	simm.s32 $0x7200  }
0x67: {  	[tilespmem:s0], [sflag:$0x1] =	stream.indirect_vreg.gather [hbm4b:s3+s2], $0x80, v4, vm0, $0xb8;
	[tilespmem:$0x10200] =	vst v63  }
0x68: {  	_ = 	snop  }
0x69: {  	[tilespmem:s8], [sflag:$0x1] =	stream.indirect_vreg.gather [hbm4b:s3+s2], $0x80, v3, vm0, $0xb8;
	[tilespmem:$0x10200] =	vst v63  }
0x6a: {  	v3 =	vld [tilespmem:$0x80];
	_ =	sdelay $0x4  }
0x6b: {  	v40 =	vshll.u32 v3, $0x1  }
0x6c: {  	v3 =	vand.u32 $0x7, v3;
	v4 =	vand.u32 $0xFFFFFFF0, v40  }
0x6d: {  	v3 =	vor.u32 v3, v4  }
0x6e: {  	v4 =	vperm.xlane v3, v0;
	_ =	sdelay $0x1  }
0x6f: {  	v3 =	vperm.xlane v3, v2;
	v4 =	vadd.s32 v1, v4;
	_ =	sdelay $0x1  }
0x70: {  	v3 =	vadd.s32 v1, v3;
	_ =	sdelay $0x2  }
0x71: {  	[tilespmem:s14], [sflag:$0x2] =	stream.indirect_vreg.gather [hbm4b:s3+s2], $0x80, v4, vm0, $0xb8;
	[tilespmem:$0x10200] =	vst v63  }
0x72: {  	_ = 	snop  }
0x73: {  	[tilespmem:s9], [sflag:$0x2] =	stream.indirect_vreg.gather [hbm4b:s3+s2], $0x80, v3, vm0, $0xb8;
	[tilespmem:$0x10200] =	vst v63  }
0x74: {  	v3 =	vld [tilespmem:$0x90];
	_ =	sdelay $0x4  }
0x75: {  	v41 =	vshll.u32 v3, $0x1  }
0x76: {  	v3 =	vand.u32 $0x7, v3;
	v4 =	vand.u32 $0xFFFFFFF0, v41  }
0x77: {  	v3 =	vor.u32 v3, v4  }
0x78: {  	v4 =	vperm.xlane v3, v0;
	_ =	sdelay $0x1  }
0x79: {  	v3 =	vperm.xlane v3, v2;
	v4 =	vadd.s32 v1, v4;
	_ =	sdelay $0x1  }
0x7a: {  	v3 =	vadd.s32 v1, v3;
	_ =	sdelay $0x2  }
0x7b: {  	[tilespmem:s10], [sflag:$0x2] =	stream.indirect_vreg.gather [hbm4b:s3+s2], $0x80, v4, vm0, $0xb8;
	[tilespmem:$0x10200] =	vst v63  }
0x7c: {  	_ = 	snop  }
0x7d: {  	[tilespmem:s11], [sflag:$0x2] =	stream.indirect_vreg.gather [hbm4b:s3+s2], $0x80, v3, vm0, $0xb8;
	[tilespmem:$0x10200] =	vst v63  }
0x7e: {  	v3 =	vld [tilespmem:$0xA0];
	_ =	sdelay $0x4  }
0x7f: {  	v42 =	vshll.u32 v3, $0x1  }
0x80: {  	v3 =	vand.u32 $0x7, v3;
	v4 =	vand.u32 $0xFFFFFFF0, v42  }
0x81: {  	v3 =	vor.u32 v3, v4  }
0x82: {  	v4 =	vperm.xlane v3, v0;
	_ =	sdelay $0x1  }
0x83: {  	v3 =	vperm.xlane v3, v2;
	v4 =	vadd.s32 v1, v4;
	_ =	sdelay $0x1  }
0x84: {  	v3 =	vadd.s32 v1, v3;
	_ =	sdelay $0x1  }
0x85: {  	s6 =	simm.s32 $0xA200  }
0x86: {  	[tilespmem:s6], [sflag:$0x2] =	stream.indirect_vreg.gather [hbm4b:s3+s2], $0x80, v4, vm0, $0xb8;
	[tilespmem:$0x10200] =	vst v63  }
0x87: {  	_ = 	snop  }
0x88: {  	[tilespmem:s13], [sflag:$0x2] =	stream.indirect_vreg.gather [hbm4b:s3+s2], $0x80, v3, vm0, $0xb8;
	[tilespmem:$0x10200] =	vst v63  }
0x89: {  	v3 =	vld [tilespmem:$0xB0];
	_ =	sdelay $0x4  }
0x8a: {  	v43 =	vshll.u32 v3, $0x1  }
0x8b: {  	v3 =	vand.u32 $0x7, v3;
	v4 =	vand.u32 $0xFFFFFFF0, v43  }
0x8c: {  	v3 =	vor.u32 v3, v4  }
0x8d: {  	v4 =	vperm.xlane v3, v0;
	_ =	sdelay $0x1  }
0x8e: {  	v3 =	vperm.xlane v3, v2;
	v4 =	vadd.s32 v1, v4;
	_ =	sdelay $0x1  }
0x8f: {  	v3 =	vadd.s32 v1, v3;
	_ =	sdelay $0x1  }
0x90: {  	s6 =	simm.s32 $0xB200  }
0x91: {  	[tilespmem:s6], [sflag:$0x2] =	stream.indirect_vreg.gather [hbm4b:s3+s2], $0x80, v4, vm0, $0xb8;
	[tilespmem:$0x10200] =	vst v63  }
0x92: {  	_ = 	snop  }
0x93: {  	[tilespmem:s7], [sflag:$0x2] =	stream.indirect_vreg.gather [hbm4b:s3+s2], $0x80, v3, vm0, $0xb8;
	[tilespmem:$0x10200] =	vst v63  }
0x94: {  	v3 =	vld [tilespmem:$0xC0];
	_ =	sdelay $0x4  }
0x95: {  	v44 =	vshll.u32 v3, $0x1  }
0x96: {  	v3 =	vand.u32 $0x7, v3;
	v4 =	vand.u32 $0xFFFFFFF0, v44  }
0x97: {  	v3 =	vor.u32 v3, v4  }
0x98: {  	v4 =	vperm.xlane v3, v0;
	_ =	sdelay $0x1  }
0x99: {  	v3 =	vperm.xlane v3, v2;
	v4 =	vadd.s32 v1, v4;
	_ =	sdelay $0x1  }
0x9a: {  	v3 =	vadd.s32 v1, v3;
	_ =	sdelay $0x1  }
0x9b: {  	s12 =	simm.s32 $0xC200  }
0x9c: {  	[tilespmem:s12], [sflag:$0x2] =	stream.indirect_vreg.gather [hbm4b:s3+s2], $0x80, v4, vm0, $0xb8;
	[tilespmem:$0x10200] =	vst v63  }
0x9d: {  	s12 =	simm.s32 $0xCA00  }
0x9e: {  	[tilespmem:s12], [sflag:$0x2] =	stream.indirect_vreg.gather [hbm4b:s3+s2], $0x80, v3, vm0, $0xb8;
	[tilespmem:$0x10200] =	vst v63  }
0x9f: {  	v3 =	vld [tilespmem:$0xD0];
	_ =	sdelay $0x4  }
0xa0: {  	v45 =	vshll.u32 v3, $0x1  }
0xa1: {  	v3 =	vand.u32 $0x7, v3;
	v4 =	vand.u32 $0xFFFFFFF0, v45  }
0xa2: {  	v3 =	vor.u32 v3, v4  }
0xa3: {  	v4 =	vperm.xlane v3, v0;
	_ =	sdelay $0x1  }
0xa4: {  	v3 =	vperm.xlane v3, v2;
	v4 =	vadd.s32 v1, v4;
	_ =	sdelay $0x1  }
0xa5: {  	v3 =	vadd.s32 v1, v3;
	_ =	sdelay $0x1  }
0xa6: {  	s12 =	simm.s32 $0xD200  }
0xa7: {  	[tilespmem:s12], [sflag:$0x2] =	stream.indirect_vreg.gather [hbm4b:s3+s2], $0x80, v4, vm0, $0xb8;
	[tilespmem:$0x10200] =	vst v63  }
0xa8: {  	s12 =	simm.s32 $0xDA00  }
0xa9: {  	[tilespmem:s12], [sflag:$0x2] =	stream.indirect_vreg.gather [hbm4b:s3+s2], $0x80, v3, vm0, $0xb8;
	[tilespmem:$0x10200] =	vst v63  }
0xaa: {  	v3 =	vld [tilespmem:$0xE0];
	_ =	sdelay $0x4  }
0xab: {  	v46 =	vshll.u32 v3, $0x1  }
0xac: {  	v3 =	vand.u32 $0x7, v3;
	v4 =	vand.u32 $0xFFFFFFF0, v46  }
0xad: {  	v3 =	vor.u32 v3, v4  }
0xae: {  	v4 =	vperm.xlane v3, v0;
	_ =	sdelay $0x1  }
0xaf: {  	v3 =	vperm.xlane v3, v2;
	v4 =	vadd.s32 v1, v4;
	_ =	sdelay $0x1  }
0xb0: {  	v3 =	vadd.s32 v1, v3;
	_ =	sdelay $0x1  }
0xb1: {  	s12 =	simm.s32 $0xE200  }
0xb2: {  	[tilespmem:s12], [sflag:$0x2] =	stream.indirect_vreg.gather [hbm4b:s3+s2], $0x80, v4, vm0, $0xb8;
	[tilespmem:$0x10200] =	vst v63  }
0xb3: {  	s12 =	simm.s32 $0xEA00  }
0xb4: {  	[tilespmem:s12], [sflag:$0x2] =	stream.indirect_vreg.gather [hbm4b:s3+s2], $0x80, v3, vm0, $0xb8;
	[tilespmem:$0x10200] =	vst v63  }
0xb5: {  	v3 =	vld [tilespmem:$0xF0];
	_ =	sdelay $0x4  }
0xb6: {  	v47 =	vshll.u32 v3, $0x1  }
0xb7: {  	v3 =	vand.u32 $0x7, v3;
	v4 =	vand.u32 $0xFFFFFFF0, v47  }
0xb8: {  	v3 =	vor.u32 v3, v4  }
0xb9: {  	v4 =	vperm.xlane v3, v0;
	_ =	sdelay $0x1  }
0xba: {  	v3 =	vperm.xlane v3, v2;
	v4 =	vadd.s32 v1, v4;
	_ =	sdelay $0x1  }
0xbb: {  	v3 =	vadd.s32 v1, v3;
	_ =	sdelay $0x1  }
0xbc: {  	s12 =	simm.s32 $0xF200  }
0xbd: {  	[tilespmem:s12], [sflag:$0x2] =	stream.indirect_vreg.gather [hbm4b:s3+s2], $0x80, v4, vm0, $0xb8;
	[tilespmem:$0x10200] =	vst v63  }
0xbe: {  	s12 =	simm.s32 $0xFA00  }
0xbf: {  	[tilespmem:s12], [sflag:$0x2] =	stream.indirect_vreg.gather [hbm4b:s3+s2], $0x80, v3, vm0, $0xb8;
	[tilespmem:$0x10200] =	vst v63  }
0xc0: {  	_ =	swait.ge [sflag:s4], $0x8000  }
0xc1: {  	[sflag:s4] =	ssyncset.done $0x0  }
0xc2: {  	s12 =	rddreg [dreg:$0x7];
	[sflag:s4] =	ssyncadd.s32 $0xFFFF8000  }
0xc3: {  	[hbm4b:s12+s2] =	stream.linear.scatter [tilespmem:s23], [sflag:$0x3], $0x8000, $0x38;
	[tilespmem:$0x10200] =	vst v63  }
0xc4: {  	_ =	swait.ge [sflag:s15], $0x8000  }
0xc5: {  	[sflag:s15] =	ssyncset.done $0x0  }
0xc6: {  	[sflag:s15] =	ssyncadd.s32 $0xFFFF8000  }
0xc7: {  	v3 =	vld [tilespmem:$0x100];
	_ =	sdelay $0x4  }
0xc8: {  	v48 =	vshll.u32 v3, $0x1  }
0xc9: {  	v3 =	vand.u32 $0x7, v3;
	v4 =	vand.u32 $0xFFFFFFF0, v48  }
0xca: {  	v3 =	vor.u32 v3, v4  }
0xcb: {  	v4 =	vperm.xlane v3, v0;
	_ =	sdelay $0x1  }
0xcc: {  	v3 =	vperm.xlane v3, v2;
	v4 =	vadd.s32 v1, v4;
	_ =	sdelay $0x1  }
0xcd: {  	v3 =	vadd.s32 v1, v3;
	_ =	sdelay $0x2  }
0xce: {  	[tilespmem:s23], [sflag:$0x1] =	stream.indirect_vreg.gather [hbm4b:s3+s2], $0x80, v4, vm0, $0xb8;
	[tilespmem:$0x10200] =	vst v63  }
0xcf: {  	_ = 	snop  }
0xd0: {  	[tilespmem:s18], [sflag:$0x1] =	stream.indirect_vreg.gather [hbm4b:s3+s2], $0x80, v3, vm0, $0xb8;
	[tilespmem:$0x10200] =	vst v63  }
0xd1: {  	v3 =	vld [tilespmem:$0x110];
	_ =	sdelay $0x4  }
0xd2: {  	v49 =	vshll.u32 v3, $0x1  }
0xd3: {  	v3 =	vand.u32 $0x7, v3;
	v4 =	vand.u32 $0xFFFFFFF0, v49  }
0xd4: {  	v3 =	vor.u32 v3, v4  }
0xd5: {  	v4 =	vperm.xlane v3, v0;
	_ =	sdelay $0x1  }
0xd6: {  	v3 =	vperm.xlane v3, v2;
	v4 =	vadd.s32 v1, v4;
	_ =	sdelay $0x1  }
0xd7: {  	v3 =	vadd.s32 v1, v3;
	_ =	sdelay $0x2  }
0xd8: {  	[tilespmem:s19], [sflag:$0x1] =	stream.indirect_vreg.gather [hbm4b:s3+s2], $0x80, v4, vm0, $0xb8;
	[tilespmem:$0x10200] =	vst v63  }
0xd9: {  	_ = 	snop  }
0xda: {  	[tilespmem:s20], [sflag:$0x1] =	stream.indirect_vreg.gather [hbm4b:s3+s2], $0x80, v3, vm0, $0xb8;
	[tilespmem:$0x10200] =	vst v63  }
0xdb: {  	v3 =	vld [tilespmem:$0x120];
	_ =	sdelay $0x4  }
0xdc: {  	v50 =	vshll.u32 v3, $0x1  }
0xdd: {  	v3 =	vand.u32 $0x7, v3;
	v4 =	vand.u32 $0xFFFFFFF0, v50  }
0xde: {  	v3 =	vor.u32 v3, v4  }
0xdf: {  	v4 =	vperm.xlane v3, v0;
	_ =	sdelay $0x1  }
0xe0: {  	v3 =	vperm.xlane v3, v2;
	v4 =	vadd.s32 v1, v4;
	_ =	sdelay $0x1  }
0xe1: {  	v3 =	vadd.s32 v1, v3;
	_ =	sdelay $0x2  }
0xe2: {  	[tilespmem:s21], [sflag:$0x1] =	stream.indirect_vreg.gather [hbm4b:s3+s2], $0x80, v4, vm0, $0xb8;
	[tilespmem:$0x10200] =	vst v63  }
0xe3: {  	_ = 	snop  }
0xe4: {  	[tilespmem:s22], [sflag:$0x1] =	stream.indirect_vreg.gather [hbm4b:s3+s2], $0x80, v3, vm0, $0xb8;
	[tilespmem:$0x10200] =	vst v63  }
0xe5: {  	v3 =	vld [tilespmem:$0x130];
	_ =	sdelay $0x4  }
0xe6: {  	v51 =	vshll.u32 v3, $0x1  }
0xe7: {  	v3 =	vand.u32 $0x7, v3;
	v4 =	vand.u32 $0xFFFFFFF0, v51  }
0xe8: {  	v3 =	vor.u32 v3, v4  }
0xe9: {  	v4 =	vperm.xlane v3, v0;
	_ =	sdelay $0x1  }
0xea: {  	v3 =	vperm.xlane v3, v2;
	v4 =	vadd.s32 v1, v4;
	_ =	sdelay $0x1  }
0xeb: {  	v3 =	vadd.s32 v1, v3;
	_ =	sdelay $0x2  }
0xec: {  	[tilespmem:s24], [sflag:$0x1] =	stream.indirect_vreg.gather [hbm4b:s3+s2], $0x80, v4, vm0, $0xb8;
	[tilespmem:$0x10200] =	vst v63  }
0xed: {  	_ = 	snop  }
0xee: {  	[tilespmem:s25], [sflag:$0x1] =	stream.indirect_vreg.gather [hbm4b:s3+s2], $0x80, v3, vm0, $0xb8;
	[tilespmem:$0x10200] =	vst v63  }
0xef: {  	v3 =	vld [tilespmem:$0x140];
	_ =	sdelay $0x4  }
0xf0: {  	v52 =	vshll.u32 v3, $0x1  }
0xf1: {  	v3 =	vand.u32 $0x7, v3;
	v4 =	vand.u32 $0xFFFFFFF0, v52  }
0xf2: {  	v3 =	vor.u32 v3, v4  }
0xf3: {  	v4 =	vperm.xlane v3, v0;
	_ =	sdelay $0x1  }
0xf4: {  	v3 =	vperm.xlane v3, v2;
	v4 =	vadd.s32 v1, v4;
	_ =	sdelay $0x1  }
0xf5: {  	v3 =	vadd.s32 v1, v3;
	_ =	sdelay $0x2  }
0xf6: {  	[tilespmem:s26], [sflag:$0x1] =	stream.indirect_vreg.gather [hbm4b:s3+s2], $0x80, v4, vm0, $0xb8;
	[tilespmem:$0x10200] =	vst v63  }
0xf7: {  	_ = 	snop  }
0xf8: {  	[tilespmem:s28], [sflag:$0x1] =	stream.indirect_vreg.gather [hbm4b:s3+s2], $0x80, v3, vm0, $0xb8;
	[tilespmem:$0x10200] =	vst v63  }
0xf9: {  	v3 =	vld [tilespmem:$0x150];
	_ =	sdelay $0x4  }
0xfa: {  	v53 =	vshll.u32 v3, $0x1  }
0xfb: {  	v3 =	vand.u32 $0x7, v3;
	v4 =	vand.u32 $0xFFFFFFF0, v53  }
0xfc: {  	v3 =	vor.u32 v3, v4  }
0xfd: {  	v4 =	vperm.xlane v3, v0;
	_ =	sdelay $0x1  }
0xfe: {  	v3 =	vperm.xlane v3, v2;
	v4 =	vadd.s32 v1, v4;
	_ =	sdelay $0x1  }
0xff: {  	v3 =	vadd.s32 v1, v3;
	_ =	sdelay $0x2  }
0x100: {  	[tilespmem:s29], [sflag:$0x1] =	stream.indirect_vreg.gather [hbm4b:s3+s2], $0x80, v4, vm0, $0xb8;
	[tilespmem:$0x10200] =	vst v63  }
0x101: {  	_ = 	snop  }
0x102: {  	[tilespmem:s30], [sflag:$0x1] =	stream.indirect_vreg.gather [hbm4b:s3+s2], $0x80, v3, vm0, $0xb8;
	[tilespmem:$0x10200] =	vst v63  }
0x103: {  	v3 =	vld [tilespmem:$0x160];
	_ =	sdelay $0x4  }
0x104: {  	v54 =	vshll.u32 v3, $0x1  }
0x105: {  	v3 =	vand.u32 $0x7, v3;
	v4 =	vand.u32 $0xFFFFFFF0, v54  }
0x106: {  	v3 =	vor.u32 v3, v4  }
0x107: {  	v4 =	vperm.xlane v3, v0;
	_ =	sdelay $0x1  }
0x108: {  	v3 =	vperm.xlane v3, v2;
	v4 =	vadd.s32 v1, v4;
	_ =	sdelay $0x1  }
0x109: {  	v3 =	vadd.s32 v1, v3;
	_ =	sdelay $0x2  }
0x10a: {  	[tilespmem:s31], [sflag:$0x1] =	stream.indirect_vreg.gather [hbm4b:s3+s2], $0x80, v4, vm0, $0xb8;
	[tilespmem:$0x10200] =	vst v63  }
0x10b: {  	_ = 	snop  }
0x10c: {  	[tilespmem:s1], [sflag:$0x1] =	stream.indirect_vreg.gather [hbm4b:s3+s2], $0x80, v3, vm0, $0xb8;
	[tilespmem:$0x10200] =	vst v63  }
0x10d: {  	v3 =	vld [tilespmem:$0x170];
	_ =	sdelay $0x4  }
0x10e: {  	v55 =	vshll.u32 v3, $0x1  }
0x10f: {  	v3 =	vand.u32 $0x7, v3;
	v4 =	vand.u32 $0xFFFFFFF0, v55  }
0x110: {  	v3 =	vor.u32 v3, v4  }
0x111: {  	v4 =	vperm.xlane v3, v0;
	_ =	sdelay $0x1  }
0x112: {  	v3 =	vperm.xlane v3, v2;
	v4 =	vadd.s32 v1, v4;
	_ =	sdelay $0x1  }
0x113: {  	v3 =	vadd.s32 v1, v3;
	_ =	sdelay $0x2  }
0x114: {  	[tilespmem:s0], [sflag:$0x1] =	stream.indirect_vreg.gather [hbm4b:s3+s2], $0x80, v4, vm0, $0xb8;
	[tilespmem:$0x10200] =	vst v63  }
0x115: {  	_ = 	snop  }
0x116: {  	[tilespmem:s8], [sflag:$0x1] =	stream.indirect_vreg.gather [hbm4b:s3+s2], $0x80, v3, vm0, $0xb8;
	[tilespmem:$0x10200] =	vst v63  }
0x117: {  	_ =	swait.ge [sflag:s16], $0x8000  }
0x118: {  	[sflag:s16] =	ssyncset.done $0x0  }
0x119: {  	s0 =	rddreg [dreg:$0x4];
	[sflag:s16] =	ssyncadd.s32 $0xFFFF8000  }
0x11a: {  	[hbm4b:s0+s2] =	stream.linear.scatter [tilespmem:s14], [sflag:$0x4], $0x8000, $0x38;
	[tilespmem:$0x10200] =	vst v63  }
0x11b: {  	_ =	swait.ge [sflag:s17], $0x8000  }
0x11c: {  	[sflag:s17] =	ssyncset.done $0x0  }
0x11d: {  	[sflag:s17] =	ssyncadd.s32 $0xFFFF8000  }
0x11e: {  	v3 =	vld [tilespmem:$0x180];
	_ =	sdelay $0x4  }
0x11f: {  	v56 =	vshll.u32 v3, $0x1  }
0x120: {  	v3 =	vand.u32 $0x7, v3;
	v4 =	vand.u32 $0xFFFFFFF0, v56  }
0x121: {  	v3 =	vor.u32 v3, v4  }
0x122: {  	v4 =	vperm.xlane v3, v0;
	_ =	sdelay $0x1  }
0x123: {  	v3 =	vperm.xlane v3, v2;
	v4 =	vadd.s32 v1, v4;
	_ =	sdelay $0x1  }
0x124: {  	v3 =	vadd.s32 v1, v3;
	_ =	sdelay $0x2  }
0x125: {  	[tilespmem:s14], [sflag:$0x2] =	stream.indirect_vreg.gather [hbm4b:s3+s2], $0x80, v4, vm0, $0xb8;
	[tilespmem:$0x10200] =	vst v63  }
0x126: {  	_ = 	snop  }
0x127: {  	[tilespmem:s9], [sflag:$0x2] =	stream.indirect_vreg.gather [hbm4b:s3+s2], $0x80, v3, vm0, $0xb8;
	[tilespmem:$0x10200] =	vst v63  }
0x128: {  	v3 =	vld [tilespmem:$0x190];
	_ =	sdelay $0x4  }
0x129: {  	v57 =	vshll.u32 v3, $0x1  }
0x12a: {  	v3 =	vand.u32 $0x7, v3;
	v4 =	vand.u32 $0xFFFFFFF0, v57  }
0x12b: {  	v3 =	vor.u32 v3, v4  }
0x12c: {  	v4 =	vperm.xlane v3, v0;
	_ =	sdelay $0x1  }
0x12d: {  	v3 =	vperm.xlane v3, v2;
	v4 =	vadd.s32 v1, v4;
	_ =	sdelay $0x1  }
0x12e: {  	v3 =	vadd.s32 v1, v3;
	_ =	sdelay $0x2  }
0x12f: {  	[tilespmem:s10], [sflag:$0x2] =	stream.indirect_vreg.gather [hbm4b:s3+s2], $0x80, v4, vm0, $0xb8;
	[tilespmem:$0x10200] =	vst v63  }
0x130: {  	_ = 	snop  }
0x131: {  	[tilespmem:s11], [sflag:$0x2] =	stream.indirect_vreg.gather [hbm4b:s3+s2], $0x80, v3, vm0, $0xb8;
	[tilespmem:$0x10200] =	vst v63  }
0x132: {  	v3 =	vld [tilespmem:$0x1A0];
	_ =	sdelay $0x4  }
0x133: {  	v58 =	vshll.u32 v3, $0x1  }
0x134: {  	v3 =	vand.u32 $0x7, v3;
	v4 =	vand.u32 $0xFFFFFFF0, v58  }
0x135: {  	v3 =	vor.u32 v3, v4  }
0x136: {  	v4 =	vperm.xlane v3, v0;
	_ =	sdelay $0x1  }
0x137: {  	v3 =	vperm.xlane v3, v2;
	v4 =	vadd.s32 v1, v4;
	_ =	sdelay $0x1  }
0x138: {  	v3 =	vadd.s32 v1, v3;
	_ =	sdelay $0x1  }
0x139: {  	s18 =	simm.s32 $0xA200  }
0x13a: {  	[tilespmem:s18], [sflag:$0x2] =	stream.indirect_vreg.gather [hbm4b:s3+s2], $0x80, v4, vm0, $0xb8;
	[tilespmem:$0x10200] =	vst v63  }
0x13b: {  	_ = 	snop  }
0x13c: {  	[tilespmem:s13], [sflag:$0x2] =	stream.indirect_vreg.gather [hbm4b:s3+s2], $0x80, v3, vm0, $0xb8;
	[tilespmem:$0x10200] =	vst v63  }
0x13d: {  	v3 =	vld [tilespmem:$0x1B0];
	_ =	sdelay $0x4  }
0x13e: {  	v59 =	vshll.u32 v3, $0x1  }
0x13f: {  	v3 =	vand.u32 $0x7, v3;
	v4 =	vand.u32 $0xFFFFFFF0, v59  }
0x140: {  	v3 =	vor.u32 v3, v4  }
0x141: {  	v4 =	vperm.xlane v3, v0;
	_ =	sdelay $0x1  }
0x142: {  	v3 =	vperm.xlane v3, v2;
	v4 =	vadd.s32 v1, v4;
	_ =	sdelay $0x1  }
0x143: {  	v3 =	vadd.s32 v1, v3;
	_ =	sdelay $0x2  }
0x144: {  	[tilespmem:s6], [sflag:$0x2] =	stream.indirect_vreg.gather [hbm4b:s3+s2], $0x80, v4, vm0, $0xb8;
	[tilespmem:$0x10200] =	vst v63  }
0x145: {  	_ = 	snop  }
0x146: {  	[tilespmem:s7], [sflag:$0x2] =	stream.indirect_vreg.gather [hbm4b:s3+s2], $0x80, v3, vm0, $0xb8;
	[tilespmem:$0x10200] =	vst v63  }
0x147: {  	v3 =	vld [tilespmem:$0x1C0];
	_ =	sdelay $0x4  }
0x148: {  	v60 =	vshll.u32 v3, $0x1  }
0x149: {  	v3 =	vand.u32 $0x7, v3;
	v4 =	vand.u32 $0xFFFFFFF0, v60  }
0x14a: {  	v3 =	vor.u32 v3, v4  }
0x14b: {  	v4 =	vperm.xlane v3, v0;
	_ =	sdelay $0x1  }
0x14c: {  	v3 =	vperm.xlane v3, v2;
	v4 =	vadd.s32 v1, v4;
	_ =	sdelay $0x1  }
0x14d: {  	v3 =	vadd.s32 v1, v3;
	_ =	sdelay $0x1  }
0x14e: {  	s6 =	simm.s32 $0xC200  }
0x14f: {  	[tilespmem:s6], [sflag:$0x2] =	stream.indirect_vreg.gather [hbm4b:s3+s2], $0x80, v4, vm0, $0xb8;
	[tilespmem:$0x10200] =	vst v63  }
0x150: {  	s18 =	simm.s32 $0xCA00  }
0x151: {  	[tilespmem:s18], [sflag:$0x2] =	stream.indirect_vreg.gather [hbm4b:s3+s2], $0x80, v3, vm0, $0xb8;
	[tilespmem:$0x10200] =	vst v63  }
0x152: {  	v3 =	vld [tilespmem:$0x1D0];
	_ =	sdelay $0x4  }
0x153: {  	v61 =	vshll.u32 v3, $0x1  }
0x154: {  	v3 =	vand.u32 $0x7, v3;
	v4 =	vand.u32 $0xFFFFFFF0, v61  }
0x155: {  	v3 =	vor.u32 v3, v4  }
0x156: {  	v4 =	vperm.xlane v3, v0;
	_ =	sdelay $0x1  }
0x157: {  	v3 =	vperm.xlane v3, v2;
	v4 =	vadd.s32 v1, v4;
	_ =	sdelay $0x1  }
0x158: {  	v3 =	vadd.s32 v1, v3;
	_ =	sdelay $0x1  }
0x159: {  	s6 =	simm.s32 $0xD200  }
0x15a: {  	[tilespmem:s6], [sflag:$0x2] =	stream.indirect_vreg.gather [hbm4b:s3+s2], $0x80, v4, vm0, $0xb8;
	[tilespmem:$0x10200] =	vst v63  }
0x15b: {  	s18 =	simm.s32 $0xDA00  }
0x15c: {  	[tilespmem:s18], [sflag:$0x2] =	stream.indirect_vreg.gather [hbm4b:s3+s2], $0x80, v3, vm0, $0xb8;
	[tilespmem:$0x10200] =	vst v63  }
0x15d: {  	v3 =	vld [tilespmem:$0x1E0];
	_ =	sdelay $0x4  }
0x15e: {  	v62 =	vshll.u32 v3, $0x1  }
0x15f: {  	v3 =	vand.u32 $0x7, v3;
	v4 =	vand.u32 $0xFFFFFFF0, v62  }
0x160: {  	v3 =	vor.u32 v3, v4  }
0x161: {  	v4 =	vperm.xlane v3, v0;
	_ =	sdelay $0x1  }
0x162: {  	v3 =	vperm.xlane v3, v2;
	v4 =	vadd.s32 v1, v4;
	_ =	sdelay $0x1  }
0x163: {  	v3 =	vadd.s32 v1, v3;
	_ =	sdelay $0x1  }
0x164: {  	s6 =	simm.s32 $0xE200  }
0x165: {  	[tilespmem:s6], [sflag:$0x2] =	stream.indirect_vreg.gather [hbm4b:s3+s2], $0x80, v4, vm0, $0xb8;
	[tilespmem:$0x10200] =	vst v63  }
0x166: {  	s18 =	simm.s32 $0xEA00  }
0x167: {  	[tilespmem:s18], [sflag:$0x2] =	stream.indirect_vreg.gather [hbm4b:s3+s2], $0x80, v3, vm0, $0xb8;
	[tilespmem:$0x10200] =	vst v63  }
0x168: {  	v3 =	vld [tilespmem:$0x1F0];
	_ =	sdelay $0x4  }
0x169: {  	v63 =	vshll.u32 v3, $0x1  }
0x16a: {  	v3 =	vand.u32 $0x7, v3;
	v4 =	vand.u32 $0xFFFFFFF0, v63  }
0x16b: {  	v3 =	vor.u32 v3, v4  }
0x16c: {  	v4 =	vperm.xlane v3, v0;
	_ =	sdelay $0x1  }
0x16d: {  	v3 =	vperm.xlane v3, v2;
	v4 =	vadd.s32 v1, v4;
	_ =	sdelay $0x1  }
0x16e: {  	v3 =	vadd.s32 v1, v3;
	_ =	sdelay $0x1  }
0x16f: {  	s6 =	simm.s32 $0xF200  }
0x170: {  	[tilespmem:s6], [sflag:$0x2] =	stream.indirect_vreg.gather [hbm4b:s3+s2], $0x80, v4, vm0, $0xb8;
	[tilespmem:$0x10200] =	vst v63  }
0x171: {  	s18 =	simm.s32 $0xFA00  }
0x172: {  	[tilespmem:s18], [sflag:$0x2] =	stream.indirect_vreg.gather [hbm4b:s3+s2], $0x80, v3, vm0, $0xb8;
	[tilespmem:$0x10200] =	vst v63  }
0x173: {  	_ =	swait.ge [sflag:s4], $0x8000  }
0x174: {  	[sflag:s4] =	ssyncset.done $0x0  }
0x175: {  	s12 =	simm.s32 $0x200;
	s6 =	rddreg [dreg:$0x5];
	[sflag:s4] =	ssyncadd.s32 $0xFFFF8000  }
0x176: {  	[hbm4b:s6+s2] =	stream.linear.scatter [tilespmem:s12], [sflag:$0x3], $0x8000, $0x38;
	[tilespmem:$0x10200] =	vst v63  }
0x177: {  	_ =	swait.ge [sflag:s16], $0x8000  }
0x178: {  	[sflag:s16] =	ssyncset.done $0x0  }
0x179: {  	s12 =	rddreg [dreg:$0x6];
	[sflag:s16] =	ssyncadd.s32 $0xFFFF8000  }
0x17a: {  	[hbm4b:s12+s2] =	stream.linear.scatter [tilespmem:s14], [sflag:$0x4], $0x8000, $0x38;
	[tilespmem:$0x10200] =	vst v63  }
0x17b: {  	p0 =	sne.s32 s5, $0x1;
	_ =	swait.ge [sflag:s15], $0x8000  }
.Ltmp0:
0x17c: {  	[sflag:s15] =	ssyncset.done $0x0;
	(pc) =	sbr.rel @p0 .LBB2_1-.Ltmp0, $4  }
0x17d: {  	[sflag:s15] =	ssyncadd.s32 $0xFFFF8000  }
0x17e: {  	_ =	swait.ge [sflag:s17], $0x8000  }
0x17f: {  	[sflag:s17] =	ssyncset.done $0x0  }
0x180: {  	s5 =	sadd.s32 $0xFFFFFFFF, s5;
	[sflag:s17] =	ssyncadd.s32 $0xFFFF8000  }
0x181: {  	_ =	sfence.sel $0x180000  }
0x182: {  	[bflag:$0x0] =	sbarrier.arrive $0xFFFF  }
0x183: {  	_ =	strace $0x90000047  }
0x184: {  	s0 =	stileid.u32;
	[bflag:$0x2] =	sbarrier.arrive $0xFFFF  }
0x185: {  	p0 =	sne.s32 s0, $0x0;
	s0 =	rddreg [dreg:$0x2]  }
0x186: {  	s0 =	sadd.s32 @!p0 $0x100000, s0  }
0x187: {  	[sflag:s0] =	ssyncadd.tile.s32 @!p0 $0x1;
	_ =	shalt  }
.Lfunc_end2:
_tile_overlayer_lowered:
.L_overlay_start_2:
0x188: {  	(tag) =	ssettag $0x2  }
0x189: {  	s0 =	rddreg [dreg:$0x0];
	s2 =	stileid.u32  }
0x18a: {  	s1 =	rddreg [dreg:$0x1];
	p0 =	sne.s32 s2, $0x0  }
0x18b: {  	s3 =	rddreg [dreg:$0x2];
	[bflag:$0x3] =	sbarrier.arrive $0xFFFF;
	s2 =	simm.s32 @!p0 $0x1C05  }
0x18c: {  	[timem:s3], [sflag:s2] =	dma.local @!p0 [hbm:s0], s1  }
0x18d: {  	s0 =	simm.s32 @!p0 $0x5  }
0x18e: {  	_ =	swait.ge @!p0 [sflag:s0], s1  }
0x18f: {  	s1 =	ssub.s32 @!p0 $0x0, s1;
	[sflag:s0] =	ssyncset.done @!p0 $0x0  }
0x190: {  	[sflag:s0] =	ssyncadd.s32 @!p0 s1  }
0x191: {  	[bflag:$0x3] =	sbarrier.arrive $0xFFFF  }
0x192: {  	_ =	shalt  }

</sc_bundles>
